<compile_context>
chip_gen: v7x
topology: tpu7x:2x2x1
jax: 0.10.2.dev20260603
libtpu: 0.0.44.dev20260713+nightly
codegen_flags: <defaults>
</compile_context>

<pallas_src>
import functools

import jax
import jax.numpy as jnp
from jax import lax
from jax.experimental import pallas as pl
from jax.experimental.pallas import tpu as pltpu
from jax.experimental.pallas import tpu_sc as plsc

B = 4096
F = 26
ROWS = 100001
D = 64

NC = 2
NS = 16
NW = NC * NS

P = F // 2
TILE_B = 128
TILES_PER_P = B // TILE_B
NTILES = P * TILES_PER_P
TPW = NTILES // NW

_mesh = plsc.VectorSubcoreMesh(core_axis_name="c", subcore_axis_name="s")


@functools.partial(
    pl.kernel,
    mesh=_mesh,
    out_type=jax.ShapeDtypeStruct((B, F * D), jnp.float32),
    scratch_types=[
        pltpu.VMEM((2, TILE_B), jnp.int32),
        pltpu.VMEM((2, TILE_B, 2 * D), jnp.float32),
        pltpu.VMEM((TILE_B, 2 * D), jnp.float32),
        pltpu.VMEM((16, 2 * D), jnp.float32),
        pltpu.SemaphoreType.DMA((2,)),
    ],
    compiler_params=pltpu.CompilerParams(use_tc_tiling_on_sc=True),
)
def _gather_bias(tab_hbm, idx_hbm, bias_hbm, out_hbm,
                 idx_v, stage_v, tile_v, bias_v, sem):
    wid = lax.axis_index("s") * NC + lax.axis_index("c")
    pltpu.sync_copy(bias_hbm, bias_v)

    def coords(j):
        t = wid * TPW + j
        p = t // TILES_PER_P
        b0 = pl.multiple_of((t % TILES_PER_P) * TILE_B, TILE_B)
        return p, b0

    def fire(p, b0, half):
        f = 2 * p + half
        pltpu.sync_copy(
            idx_hbm.at[pl.ds(pl.multiple_of(f * B + b0, TILE_B), TILE_B)],
            idx_v.at[half])
        pltpu.async_copy(tab_hbm.at[p].at[idx_v.at[half]],
                         stage_v.at[half], sem.at[half])

    def process(p, half):
        pltpu.make_async_copy(
            tab_hbm.at[p, pl.ds(0, TILE_B)], stage_v.at[half],
            sem.at[half]).wait()
        b_regs = [bias_v[p, pl.ds(half * D + k * 16, 16)] for k in range(4)]

        def row_body(r, _):
            for k in range(4):
                tile_v[r, pl.ds(half * D + k * 16, 16)] = (
                    stage_v[half, r, pl.ds(half * D + k * 16, 16)]
                    + b_regs[k])
            return 0

        lax.fori_loop(0, TILE_B, row_body, 0)

    p0, b00 = coords(0)
    fire(p0, b00, 0)

    def tile_body(j, _):
        p, b0 = coords(j)
        fire(p, b0, 1)
        process(p, 0)
        pn, b0n = coords(jnp.minimum(j + 1, TPW - 1))
        fire(pn, b0n, 0)
        process(p, 1)
        pltpu.sync_copy(
            tile_v,
            out_hbm.at[pl.ds(b0, TILE_B),
                       pl.ds(pl.multiple_of(p * 2 * D, 2 * D), 2 * D)])
        return 0

    lax.fori_loop(0, TPW, tile_body, 0)
    pl_, _b = coords(TPW - 1)
    pltpu.make_async_copy(
        tab_hbm.at[pl_, pl.ds(0, TILE_B)], stage_v.at[0], sem.at[0]).wait()


def kernel(cat_features, tables, bias):
    idx = cat_features.T.astype(jnp.int32).reshape(-1)
    tab_p = tables.reshape(P, 2, ROWS, D).transpose(0, 2, 1, 3).reshape(
        P, ROWS, 2 * D)
    bias_pairs = jnp.pad(bias.reshape(P, 2 * D), ((0, 3), (0, 0)))
    return _gather_bias(tab_p, idx, bias_pairs)

# --- scband reference (transcript-rebuilt; emitter-appended) ---
"""Pipeline reference for scband-cat-embeddings-custom-6966436954453 (READ-ONLY COPY).

The authoritative reference and input builder live on the scoring server;
editing this copy changes nothing except your own understanding.
"""

import jax, jax.numpy as jnp
import numpy as np

B = 4096
F = 26
CARD = 100000  # per-feature cardinality; +1 row for missing (add_missing=True)
D = 64


def setup_inputs(seed: int = 0) -> dict:
    key = jax.random.key(seed)
    k1, k2, k3 = jax.random.split(key, 3)
    cat_features = jax.random.randint(k1, (B, F), 0, CARD)
    # Stacked per-feature embedding tables: [F, CARD+1, D] (add_missing adds one row)
    tables = jax.random.normal(k2, (F, CARD + 1, D), dtype=jnp.float32) * 0.02
    # Per-feature trainable bias vectors (bias=True, FT-Transformer style): [F, D]
    bias = jax.random.normal(k3, (F, D), dtype=jnp.float32) * 0.02
    return {"cat_features": cat_features, "tables": tables, "bias": bias}


def reference(cat_features, tables, bias):
    # Per-feature embedding lookup: for feature i, tables[i][cat_features[:, i]]
    # Advanced indexing gather: [B, F, D]
    feat_idx = jnp.arange(tables.shape[0])[None, :]  # [1, F]
    emb = tables[feat_idx, cat_features]  # [B, F, D]
    # Add per-feature non-shared bias regardless of feature value
    emb = emb + bias[None, :, :]
    # Concatenate per-feature embeddings -> output_size = sum of dims = F*D
    return emb.reshape(emb.shape[0], -1)  # [B, F*D]

if __name__ == "__main__":
    import jax
    _d = setup_inputs()
    print(jax.jit(kernel)(*tuple(_d.values())))

</pallas_src>

<mosaic_0001>
#map = affine_map<(d0, d1) -> (0, 0, 0)>
#map1 = affine_map<(d0, d1) -> (0)>
#map2 = affine_map<(d0, d1) -> (0, 0)>
module attributes {stable_mosaic.version = 14 : i64} {
  func.func @_gather_bias(%arg0: i32, %arg1: i32, %arg2: memref<13x100001x128xf32, #tpu.memory_space<hbm>>, %arg3: memref<106496xi32, #tpu.memory_space<hbm>>, %arg4: memref<16x128xf32, #tpu.memory_space<hbm>>, %arg5: memref<4096x1664xf32, #tpu.memory_space<hbm>>, %arg6: memref<2x128xi32, #tpu.memory_space<vmem>>, %arg7: memref<2x128x128xf32, #tpu.memory_space<vmem>>, %arg8: memref<128x128xf32, #tpu.memory_space<vmem>>, %arg9: memref<16x128xf32, #tpu.memory_space<vmem>>, %arg10: memref<2x!tpu.dma_semaphore, #tpu.memory_space<semaphore_mem>>) attributes {dimension_semantics = [#tpu.dimension_semantics<core_parallel>, #tpu.dimension_semantics<subcore_parallel>], iteration_bounds = array<i64: 2, 16>, scalar_prefetch = 0 : i64, scratch_operands = 5 : i64, tpu.core_type = #tpu.core_type<sc_vector_subcore>, window_params = [{transform_indices = #map}, {transform_indices = #map1}, {transform_indices = #map2}, {transform_indices = #map2}]} {
    %mul3A = arith.constant 2 : i32
    %mul3A_0 = arith.muli %arg1, %mul3A : i32
    %add3A = arith.addi %mul3A_0, %arg0 : i32
    "tpu.region"() ({
      %run_scoped3A_135 = tpu.sem_alloc : memref<!tpu.dma_semaphore, #tpu.memory_space<semaphore_mem>>
      tpu.enqueue_dma source(%arg4 : memref<16x128xf32, #tpu.memory_space<hbm>>) target(%arg9 : memref<16x128xf32, #tpu.memory_space<vmem>>) target_semaphore(%run_scoped3A_135 : memref<!tpu.dma_semaphore, #tpu.memory_space<semaphore_mem>>)
      tpu.wait_dma2 semaphore(%run_scoped3A_135 : memref<!tpu.dma_semaphore, #tpu.memory_space<semaphore_mem>>) src(%arg4 : memref<16x128xf32, #tpu.memory_space<hbm>>) dst(%arg9 : memref<16x128xf32, #tpu.memory_space<vmem>>)
      tpu.yield
    }) : () -> ()
    %mul3A_1 = arith.constant 13 : i32
    %mul3A_2 = arith.muli %add3A, %mul3A_1 : i32
    %add3A_3 = arith.constant 0 : i32
    %add3A_4 = arith.addi %mul3A_2, %add3A_3 : i32
    %jit3A = arith.constant 32 : i32
    %div3A = arith.divsi %add3A_4, %jit3A : i32
    %sign3A = arith.constant 0 : i32
    %sign3A_5 = arith.cmpi sgt, %add3A_4, %sign3A : i32
    %sign3A_6 = arith.extui %sign3A_5 : i1 to i32
    %sign3A_7 = arith.constant 0 : i32
    %sign3A_8 = arith.cmpi slt, %add3A_4, %sign3A_7 : i32
    %sign3A_9 = arith.extui %sign3A_8 : i1 to i32
    %sign3A_10 = arith.subi %sign3A_6, %sign3A_9 : i32
    %sign3A_11 = arith.constant 0 : i32
    %sign3A_12 = arith.cmpi sgt, %jit3A, %sign3A_11 : i32
    %sign3A_13 = arith.extui %sign3A_12 : i1 to i32
    %sign3A_14 = arith.constant 0 : i32
    %sign3A_15 = arith.cmpi slt, %jit3A, %sign3A_14 : i32
    %sign3A_16 = arith.extui %sign3A_15 : i1 to i32
    %sign3A_17 = arith.subi %sign3A_13, %sign3A_16 : i32
    %ne3A = arith.cmpi ne, %sign3A_10, %sign3A_17 : i32
    %rem3A = arith.remsi %add3A_4, %jit3A : i32
    %ne3A_18 = arith.constant 0 : i32
    %ne3A_19 = arith.cmpi ne, %rem3A, %ne3A_18 : i32
    %and3A = arith.andi %ne3A, %ne3A_19 : i1
    %sub3A = arith.constant 1 : i32
    %sub3A_20 = arith.subi %div3A, %sub3A : i32
    %select_n3A = arith.select %and3A, %sub3A_20, %div3A : i32
    %jit3A_21 = arith.constant 32 : i32
    %eq3A = arith.constant 0 : i32
    %eq3A_22 = arith.cmpi eq, %jit3A_21, %eq3A : i32
    %jit3A_23 = arith.constant 1 : i32
    %select_n3A_24 = arith.select %eq3A_22, %jit3A_23, %jit3A_21 : i32
    %rem3A_25 = arith.remsi %add3A_4, %select_n3A_24 : i32
    %ne3A_26 = arith.constant 0 : i32
    %ne3A_27 = arith.cmpi ne, %rem3A_25, %ne3A_26 : i32
    %lt3A = arith.constant 0 : i32
    %lt3A_28 = arith.cmpi slt, %rem3A_25, %lt3A : i32
    %lt3A_29 = arith.constant 0 : i32
    %lt3A_30 = arith.cmpi slt, %select_n3A_24, %lt3A_29 : i32
    %ne3A_31 = arith.xori %lt3A_28, %lt3A_30 : i1
    %and3A_32 = arith.andi %ne3A_31, %ne3A_27 : i1
    %add3A_33 = arith.addi %rem3A_25, %select_n3A_24 : i32
    %select_n3A_34 = arith.select %and3A_32, %add3A_33, %rem3A_25 : i32
    %mul3A_35 = arith.constant 128 : i32
    %mul3A_36 = arith.muli %select_n3A_34, %mul3A_35 : i32
    %multiple_of3A = tpu.assume_multiple %mul3A_36, 128 : i32
    %mul3A_37 = arith.constant 2 : i32
    %mul3A_38 = arith.muli %mul3A_37, %select_n3A : i32
    %add3A_39 = arith.constant 0 : i32
    %add3A_40 = arith.addi %mul3A_38, %add3A_39 : i32
    %mul3A_41 = arith.constant 4096 : i32
    %mul3A_42 = arith.muli %add3A_40, %mul3A_41 : i32
    %add3A_43 = arith.addi %mul3A_42, %multiple_of3A : i32
    %multiple_of3A_44 = tpu.assume_multiple %add3A_43, 128 : i32
    %run_scoped3A = arith.constant 0 : i32
    "tpu.region"() ({
      %run_scoped3A_135 = tpu.sem_alloc : memref<!tpu.dma_semaphore, #tpu.memory_space<semaphore_mem>>
      %dma_start3A_136 = arith.constant 0 : i32
      %dma_start3A_137 = tpu.memref_slice %arg6[%run_scoped3A, %dma_start3A_136] : memref<2x128xi32, #tpu.memory_space<vmem>> -> memref<1x128xi32, #tpu.memory_space<vmem>>
      %dma_start3A_138 = tpu.memref_squeeze %dma_start3A_137 : memref<1x128xi32, #tpu.memory_space<vmem>> -> memref<128xi32, #tpu.memory_space<vmem>>
      %dma_start3A_139 = tpu.memref_slice %arg3[%multiple_of3A_44] : memref<106496xi32, #tpu.memory_space<hbm>> -> memref<128xi32, #tpu.memory_space<hbm>>
      %dma_start3A_140 = arith.constant 0 : i32
      %dma_start3A_141 = tpu.memref_slice %arg6[%run_scoped3A, %dma_start3A_140] : memref<2x128xi32, #tpu.memory_space<vmem>> -> memref<1x128xi32, #tpu.memory_space<vmem>>
      %dma_start3A_142 = tpu.memref_squeeze %dma_start3A_141 : memref<1x128xi32, #tpu.memory_space<vmem>> -> memref<128xi32, #tpu.memory_space<vmem>>
      %dma_start3A_143 = tpu.memref_slice %arg3[%multiple_of3A_44] : memref<106496xi32, #tpu.memory_space<hbm>> -> memref<128xi32, #tpu.memory_space<hbm>>
      tpu.enqueue_dma source(%dma_start3A_143 : memref<128xi32, #tpu.memory_space<hbm>>) target(%dma_start3A_142 : memref<128xi32, #tpu.memory_space<vmem>>) target_semaphore(%run_scoped3A_135 : memref<!tpu.dma_semaphore, #tpu.memory_space<semaphore_mem>>)
      %dma_wait3A_144 = arith.constant 0 : i32
      %dma_wait3A_145 = tpu.memref_slice %arg6[%run_scoped3A, %dma_wait3A_144] : memref<2x128xi32, #tpu.memory_space<vmem>> -> memref<1x128xi32, #tpu.memory_space<vmem>>
      %dma_wait3A_146 = tpu.memref_squeeze %dma_wait3A_145 : memref<1x128xi32, #tpu.memory_space<vmem>> -> memref<128xi32, #tpu.memory_space<vmem>>
      %dma_wait3A_147 = tpu.memref_slice %arg3[%multiple_of3A_44] : memref<106496xi32, #tpu.memory_space<hbm>> -> memref<128xi32, #tpu.memory_space<hbm>>
      %dma_wait3A_148 = arith.constant 0 : i32
      %dma_wait3A_149 = tpu.memref_slice %arg6[%run_scoped3A, %dma_wait3A_148] : memref<2x128xi32, #tpu.memory_space<vmem>> -> memref<1x128xi32, #tpu.memory_space<vmem>>
      %dma_wait3A_150 = tpu.memref_squeeze %dma_wait3A_149 : memref<1x128xi32, #tpu.memory_space<vmem>> -> memref<128xi32, #tpu.memory_space<vmem>>
      %dma_wait3A_151 = tpu.memref_slice %arg3[%multiple_of3A_44] : memref<106496xi32, #tpu.memory_space<hbm>> -> memref<128xi32, #tpu.memory_space<hbm>>
      tpu.wait_dma2 semaphore(%run_scoped3A_135 : memref<!tpu.dma_semaphore, #tpu.memory_space<semaphore_mem>>) src(%dma_wait3A_151 : memref<128xi32, #tpu.memory_space<hbm>>) dst(%dma_wait3A_150 : memref<128xi32, #tpu.memory_space<vmem>>)
      tpu.yield
    }) : () -> ()
    %dma_start3A = arith.constant 0 : i32
    %dma_start3A_45 = arith.constant 0 : i32
    %dma_start3A_46 = arith.constant 0 : i32
    %dma_start3A_47 = arith.constant 0 : i32
    %dma_start3A_48 = arith.constant 0 : i32
    %dma_start3A_49 = tpu.memref_slice %arg7[%dma_start3A_45, %dma_start3A_47, %dma_start3A_48] : memref<2x128x128xf32, #tpu.memory_space<vmem>> -> memref<1x128x128xf32, #tpu.memory_space<vmem>>
    %dma_start3A_50 = tpu.memref_squeeze %dma_start3A_49 : memref<1x128x128xf32, #tpu.memory_space<vmem>> -> memref<128x128xf32, #tpu.memory_space<vmem>>
    %dma_start3A_51 = arith.constant 0 : i32
    %dma_start3A_52 = tpu.memref_slice %arg6[%dma_start3A, %dma_start3A_51] : memref<2x128xi32, #tpu.memory_space<vmem>> -> memref<1x128xi32, #tpu.memory_space<vmem>>
    %dma_start3A_53 = tpu.memref_squeeze %dma_start3A_52 : memref<1x128xi32, #tpu.memory_space<vmem>> -> memref<128xi32, #tpu.memory_space<vmem>>
    %dma_start3A_54 = arith.constant 0 : i32
    %dma_start3A_55 = arith.constant 0 : i32
    %dma_start3A_56 = tpu.memref_slice %arg2[%select_n3A, %dma_start3A_54, %dma_start3A_55] : memref<13x100001x128xf32, #tpu.memory_space<hbm>> -> memref<1x100001x128xf32, #tpu.memory_space<hbm>>
    %dma_start3A_57 = tpu.memref_squeeze %dma_start3A_56 : memref<1x100001x128xf32, #tpu.memory_space<hbm>> -> memref<100001x128xf32, #tpu.memory_space<hbm>>
    %dma_start3A_58 = arith.constant 0 : i32
    %dma_start3A_59 = arith.constant 0 : i32
    %dma_start3A_60 = tpu.memref_slice %dma_start3A_57[%dma_start3A_58, %dma_start3A_59] : memref<100001x128xf32, #tpu.memory_space<hbm>> -> memref<100001x128xf32, #tpu.memory_space<hbm>>
    %dma_start3A_61 = tpu.memref_slice %arg10[%dma_start3A_46] : memref<2x!tpu.dma_semaphore, #tpu.memory_space<semaphore_mem>> -> memref<1x!tpu.dma_semaphore, #tpu.memory_space<semaphore_mem>>
    %dma_start3A_62 = tpu.memref_squeeze %dma_start3A_61 : memref<1x!tpu.dma_semaphore, #tpu.memory_space<semaphore_mem>> -> memref<!tpu.dma_semaphore, #tpu.memory_space<semaphore_mem>>
    tpu.enqueue_indirect_dma source(%dma_start3A_60 : memref<100001x128xf32, #tpu.memory_space<hbm>>) target(%dma_start3A_50 : memref<128x128xf32, #tpu.memory_space<vmem>>) offsets(%dma_start3A_53 : memref<128xi32, #tpu.memory_space<vmem>>) semaphore(%dma_start3A_62 : memref<!tpu.dma_semaphore, #tpu.memory_space<semaphore_mem>>)
    %scan3A = arith.constant 0 : i32
    %scan3A_63 = arith.constant 0 : i32
    %scan3A_64 = arith.constant 13 : i32
    %scan3A_65 = arith.addi %scan3A_63, %scan3A_64 : i32
    %scan3A_66 = arith.constant 1 : i32
    %scan3A_67 = scf.for %scan3A_135 = %scan3A_63 to %scan3A_65 step %scan3A_66 iter_args(%scan3A_136 = %scan3A) -> (i32)  : i32 {
      %mul3A_137 = arith.constant 13 : i32
      %mul3A_138 = arith.muli %add3A, %mul3A_137 : i32
      %add3A_139 = arith.addi %mul3A_138, %scan3A_135 : i32
      %jit3A_140 = arith.constant 32 : i32
      %div3A_141 = arith.divsi %add3A_139, %jit3A_140 : i32
      %sign3A_142 = arith.constant 0 : i32
      %sign3A_143 = arith.cmpi sgt, %add3A_139, %sign3A_142 : i32
      %sign3A_144 = arith.extui %sign3A_143 : i1 to i32
      %sign3A_145 = arith.constant 0 : i32
      %sign3A_146 = arith.cmpi slt, %add3A_139, %sign3A_145 : i32
      %sign3A_147 = arith.extui %sign3A_146 : i1 to i32
      %sign3A_148 = arith.subi %sign3A_144, %sign3A_147 : i32
      %sign3A_149 = arith.constant 0 : i32
      %sign3A_150 = arith.cmpi sgt, %jit3A_140, %sign3A_149 : i32
      %sign3A_151 = arith.extui %sign3A_150 : i1 to i32
      %sign3A_152 = arith.constant 0 : i32
      %sign3A_153 = arith.cmpi slt, %jit3A_140, %sign3A_152 : i32
      %sign3A_154 = arith.extui %sign3A_153 : i1 to i32
      %sign3A_155 = arith.subi %sign3A_151, %sign3A_154 : i32
      %ne3A_156 = arith.cmpi ne, %sign3A_148, %sign3A_155 : i32
      %rem3A_157 = arith.remsi %add3A_139, %jit3A_140 : i32
      %ne3A_158 = arith.constant 0 : i32
      %ne3A_159 = arith.cmpi ne, %rem3A_157, %ne3A_158 : i32
      %and3A_160 = arith.andi %ne3A_156, %ne3A_159 : i1
      %sub3A_161 = arith.constant 1 : i32
      %sub3A_162 = arith.subi %div3A_141, %sub3A_161 : i32
      %select_n3A_163 = arith.select %and3A_160, %sub3A_162, %div3A_141 : i32
      %jit3A_164 = arith.constant 32 : i32
      %eq3A_165 = arith.constant 0 : i32
      %eq3A_166 = arith.cmpi eq, %jit3A_164, %eq3A_165 : i32
      %jit3A_167 = arith.constant 1 : i32
      %select_n3A_168 = arith.select %eq3A_166, %jit3A_167, %jit3A_164 : i32
      %rem3A_169 = arith.remsi %add3A_139, %select_n3A_168 : i32
      %ne3A_170 = arith.constant 0 : i32
      %ne3A_171 = arith.cmpi ne, %rem3A_169, %ne3A_170 : i32
      %lt3A_172 = arith.constant 0 : i32
      %lt3A_173 = arith.cmpi slt, %rem3A_169, %lt3A_172 : i32
      %lt3A_174 = arith.constant 0 : i32
      %lt3A_175 = arith.cmpi slt, %select_n3A_168, %lt3A_174 : i32
      %ne3A_176 = arith.xori %lt3A_173, %lt3A_175 : i1
      %and3A_177 = arith.andi %ne3A_176, %ne3A_171 : i1
      %add3A_178 = arith.addi %rem3A_169, %select_n3A_168 : i32
      %select_n3A_179 = arith.select %and3A_177, %add3A_178, %rem3A_169 : i32
      %mul3A_180 = arith.constant 128 : i32
      %mul3A_181 = arith.muli %select_n3A_179, %mul3A_180 : i32
      %multiple_of3A_182 = tpu.assume_multiple %mul3A_181, 128 : i32
      %mul3A_183 = arith.constant 2 : i32
      %mul3A_184 = arith.muli %mul3A_183, %select_n3A_163 : i32
      %add3A_185 = arith.constant 1 : i32
      %add3A_186 = arith.addi %mul3A_184, %add3A_185 : i32
      %mul3A_187 = arith.constant 4096 : i32
      %mul3A_188 = arith.muli %add3A_186, %mul3A_187 : i32
      %add3A_189 = arith.addi %mul3A_188, %multiple_of3A_182 : i32
      %multiple_of3A_190 = tpu.assume_multiple %add3A_189, 128 : i32
      %run_scoped3A_191 = arith.constant 1 : i32
      "tpu.region"() ({
        %run_scoped3A_379 = tpu.sem_alloc : memref<!tpu.dma_semaphore, #tpu.memory_space<semaphore_mem>>
        %dma_start3A_380 = arith.constant 0 : i32
        %dma_start3A_381 = tpu.memref_slice %arg6[%run_scoped3A_191, %dma_start3A_380] : memref<2x128xi32, #tpu.memory_space<vmem>> -> memref<1x128xi32, #tpu.memory_space<vmem>>
        %dma_start3A_382 = tpu.memref_squeeze %dma_start3A_381 : memref<1x128xi32, #tpu.memory_space<vmem>> -> memref<128xi32, #tpu.memory_space<vmem>>
        %dma_start3A_383 = tpu.memref_slice %arg3[%multiple_of3A_190] : memref<106496xi32, #tpu.memory_space<hbm>> -> memref<128xi32, #tpu.memory_space<hbm>>
        %dma_start3A_384 = arith.constant 0 : i32
        %dma_start3A_385 = tpu.memref_slice %arg6[%run_scoped3A_191, %dma_start3A_384] : memref<2x128xi32, #tpu.memory_space<vmem>> -> memref<1x128xi32, #tpu.memory_space<vmem>>
        %dma_start3A_386 = tpu.memref_squeeze %dma_start3A_385 : memref<1x128xi32, #tpu.memory_space<vmem>> -> memref<128xi32, #tpu.memory_space<vmem>>
        %dma_start3A_387 = tpu.memref_slice %arg3[%multiple_of3A_190] : memref<106496xi32, #tpu.memory_space<hbm>> -> memref<128xi32, #tpu.memory_space<hbm>>
        tpu.enqueue_dma source(%dma_start3A_387 : memref<128xi32, #tpu.memory_space<hbm>>) target(%dma_start3A_386 : memref<128xi32, #tpu.memory_space<vmem>>) target_semaphore(%run_scoped3A_379 : memref<!tpu.dma_semaphore, #tpu.memory_space<semaphore_mem>>)
        %dma_wait3A_388 = arith.constant 0 : i32
        %dma_wait3A_389 = tpu.memref_slice %arg6[%run_scoped3A_191, %dma_wait3A_388] : memref<2x128xi32, #tpu.memory_space<vmem>> -> memref<1x128xi32, #tpu.memory_space<vmem>>
        %dma_wait3A_390 = tpu.memref_squeeze %dma_wait3A_389 : memref<1x128xi32, #tpu.memory_space<vmem>> -> memref<128xi32, #tpu.memory_space<vmem>>
        %dma_wait3A_391 = tpu.memref_slice %arg3[%multiple_of3A_190] : memref<106496xi32, #tpu.memory_space<hbm>> -> memref<128xi32, #tpu.memory_space<hbm>>
        %dma_wait3A_392 = arith.constant 0 : i32
        %dma_wait3A_393 = tpu.memref_slice %arg6[%run_scoped3A_191, %dma_wait3A_392] : memref<2x128xi32, #tpu.memory_space<vmem>> -> memref<1x128xi32, #tpu.memory_space<vmem>>
        %dma_wait3A_394 = tpu.memref_squeeze %dma_wait3A_393 : memref<1x128xi32, #tpu.memory_space<vmem>> -> memref<128xi32, #tpu.memory_space<vmem>>
        %dma_wait3A_395 = tpu.memref_slice %arg3[%multiple_of3A_190] : memref<106496xi32, #tpu.memory_space<hbm>> -> memref<128xi32, #tpu.memory_space<hbm>>
        tpu.wait_dma2 semaphore(%run_scoped3A_379 : memref<!tpu.dma_semaphore, #tpu.memory_space<semaphore_mem>>) src(%dma_wait3A_395 : memref<128xi32, #tpu.memory_space<hbm>>) dst(%dma_wait3A_394 : memref<128xi32, #tpu.memory_space<vmem>>)
        tpu.yield
      }) : () -> ()
      %dma_start3A_192 = arith.constant 1 : i32
      %dma_start3A_193 = arith.constant 1 : i32
      %dma_start3A_194 = arith.constant 1 : i32
      %dma_start3A_195 = arith.constant 0 : i32
      %dma_start3A_196 = arith.constant 0 : i32
      %dma_start3A_197 = tpu.memref_slice %arg7[%dma_start3A_193, %dma_start3A_195, %dma_start3A_196] : memref<2x128x128xf32, #tpu.memory_space<vmem>> -> memref<1x128x128xf32, #tpu.memory_space<vmem>>
      %dma_start3A_198 = tpu.memref_squeeze %dma_start3A_197 : memref<1x128x128xf32, #tpu.memory_space<vmem>> -> memref<128x128xf32, #tpu.memory_space<vmem>>
      %dma_start3A_199 = arith.constant 0 : i32
      %dma_start3A_200 = tpu.memref_slice %arg6[%dma_start3A_192, %dma_start3A_199] : memref<2x128xi32, #tpu.memory_space<vmem>> -> memref<1x128xi32, #tpu.memory_space<vmem>>
      %dma_start3A_201 = tpu.memref_squeeze %dma_start3A_200 : memref<1x128xi32, #tpu.memory_space<vmem>> -> memref<128xi32, #tpu.memory_space<vmem>>
      %dma_start3A_202 = arith.constant 0 : i32
      %dma_start3A_203 = arith.constant 0 : i32
      %dma_start3A_204 = tpu.memref_slice %arg2[%select_n3A_163, %dma_start3A_202, %dma_start3A_203] : memref<13x100001x128xf32, #tpu.memory_space<hbm>> -> memref<1x100001x128xf32, #tpu.memory_space<hbm>>
      %dma_start3A_205 = tpu.memref_squeeze %dma_start3A_204 : memref<1x100001x128xf32, #tpu.memory_space<hbm>> -> memref<100001x128xf32, #tpu.memory_space<hbm>>
      %dma_start3A_206 = arith.constant 0 : i32
      %dma_start3A_207 = arith.constant 0 : i32
      %dma_start3A_208 = tpu.memref_slice %dma_start3A_205[%dma_start3A_206, %dma_start3A_207] : memref<100001x128xf32, #tpu.memory_space<hbm>> -> memref<100001x128xf32, #tpu.memory_space<hbm>>
      %dma_start3A_209 = tpu.memref_slice %arg10[%dma_start3A_194] : memref<2x!tpu.dma_semaphore, #tpu.memory_space<semaphore_mem>> -> memref<1x!tpu.dma_semaphore, #tpu.memory_space<semaphore_mem>>
      %dma_start3A_210 = tpu.memref_squeeze %dma_start3A_209 : memref<1x!tpu.dma_semaphore, #tpu.memory_space<semaphore_mem>> -> memref<!tpu.dma_semaphore, #tpu.memory_space<semaphore_mem>>
      tpu.enqueue_indirect_dma source(%dma_start3A_208 : memref<100001x128xf32, #tpu.memory_space<hbm>>) target(%dma_start3A_198 : memref<128x128xf32, #tpu.memory_space<vmem>>) offsets(%dma_start3A_201 : memref<128xi32, #tpu.memory_space<vmem>>) semaphore(%dma_start3A_210 : memref<!tpu.dma_semaphore, #tpu.memory_space<semaphore_mem>>)
      %dma_wait3A_211 = arith.constant 0 : i32
      %dma_wait3A_212 = arith.constant 0 : i32
      %dma_wait3A_213 = arith.constant 0 : i32
      %dma_wait3A_214 = arith.constant 0 : i32
      %dma_wait3A_215 = tpu.memref_slice %arg7[%dma_wait3A_211, %dma_wait3A_213, %dma_wait3A_214] : memref<2x128x128xf32, #tpu.memory_space<vmem>> -> memref<1x128x128xf32, #tpu.memory_space<vmem>>
      %dma_wait3A_216 = tpu.memref_squeeze %dma_wait3A_215 : memref<1x128x128xf32, #tpu.memory_space<vmem>> -> memref<128x128xf32, #tpu.memory_space<vmem>>
      %dma_wait3A_217 = arith.constant 0 : i32
      %dma_wait3A_218 = arith.constant 0 : i32
      %dma_wait3A_219 = tpu.memref_slice %arg2[%select_n3A_163, %dma_wait3A_217, %dma_wait3A_218] : memref<13x100001x128xf32, #tpu.memory_space<hbm>> -> memref<1x128x128xf32, #tpu.memory_space<hbm>>
      %dma_wait3A_220 = tpu.memref_squeeze %dma_wait3A_219 : memref<1x128x128xf32, #tpu.memory_space<hbm>> -> memref<128x128xf32, #tpu.memory_space<hbm>>
      %dma_wait3A_221 = tpu.memref_slice %arg10[%dma_wait3A_212] : memref<2x!tpu.dma_semaphore, #tpu.memory_space<semaphore_mem>> -> memref<1x!tpu.dma_semaphore, #tpu.memory_space<semaphore_mem>>
      %dma_wait3A_222 = tpu.memref_squeeze %dma_wait3A_221 : memref<1x!tpu.dma_semaphore, #tpu.memory_space<semaphore_mem>> -> memref<!tpu.dma_semaphore, #tpu.memory_space<semaphore_mem>>
      %dma_wait3A_223 = arith.constant 0 : i32
      %dma_wait3A_224 = arith.constant 0 : i32
      %dma_wait3A_225 = tpu.memref_slice %arg7[%dma_wait3A_211, %dma_wait3A_223, %dma_wait3A_224] : memref<2x128x128xf32, #tpu.memory_space<vmem>> -> memref<1x128x128xf32, #tpu.memory_space<vmem>>
      %dma_wait3A_226 = tpu.memref_squeeze %dma_wait3A_225 : memref<1x128x128xf32, #tpu.memory_space<vmem>> -> memref<128x128xf32, #tpu.memory_space<vmem>>
      %dma_wait3A_227 = arith.constant 0 : i32
      %dma_wait3A_228 = arith.constant 0 : i32
      %dma_wait3A_229 = tpu.memref_slice %arg2[%select_n3A_163, %dma_wait3A_227, %dma_wait3A_228] : memref<13x100001x128xf32, #tpu.memory_space<hbm>> -> memref<1x128x128xf32, #tpu.memory_space<hbm>>
      %dma_wait3A_230 = tpu.memref_squeeze %dma_wait3A_229 : memref<1x128x128xf32, #tpu.memory_space<hbm>> -> memref<128x128xf32, #tpu.memory_space<hbm>>
      tpu.wait_dma2 semaphore(%dma_wait3A_222 : memref<!tpu.dma_semaphore, #tpu.memory_space<semaphore_mem>>) src(%dma_wait3A_230 : memref<128x128xf32, #tpu.memory_space<hbm>>) dst(%dma_wait3A_226 : memref<128x128xf32, #tpu.memory_space<vmem>>)
      %get3A = arith.index_cast %select_n3A_163 : i32 to index
      %get3A_231 = arith.constant 0 : index
      %get3A_232 = tpu.vector_load %arg9[%get3A, %get3A_231] {strides = array<i32>} : memref<16x128xf32, #tpu.memory_space<vmem>>, vector<1x16xf32>,
      %get3A_233 = vector.shape_cast %get3A_232 : vector<1x16xf32> to vector<16xf32>
      %get3A_234 = arith.index_cast %select_n3A_163 : i32 to index
      %get3A_235 = arith.constant 16 : index
      %get3A_236 = tpu.vector_load %arg9[%get3A_234, %get3A_235] {strides = array<i32>} : memref<16x128xf32, #tpu.memory_space<vmem>>, vector<1x16xf32>,
      %get3A_237 = vector.shape_cast %get3A_236 : vector<1x16xf32> to vector<16xf32>
      %get3A_238 = arith.index_cast %select_n3A_163 : i32 to index
      %get3A_239 = arith.constant 32 : index
      %get3A_240 = tpu.vector_load %arg9[%get3A_238, %get3A_239] {strides = array<i32>} : memref<16x128xf32, #tpu.memory_space<vmem>>, vector<1x16xf32>,
      %get3A_241 = vector.shape_cast %get3A_240 : vector<1x16xf32> to vector<16xf32>
      %get3A_242 = arith.index_cast %select_n3A_163 : i32 to index
      %get3A_243 = arith.constant 48 : index
      %get3A_244 = tpu.vector_load %arg9[%get3A_242, %get3A_243] {strides = array<i32>} : memref<16x128xf32, #tpu.memory_space<vmem>>, vector<1x16xf32>,
      %get3A_245 = vector.shape_cast %get3A_244 : vector<1x16xf32> to vector<16xf32>
      %scan3A_246 = arith.constant 0 : i32
      %scan3A_247 = arith.constant 0 : i32
      %scan3A_248 = arith.constant 128 : i32
      %scan3A_249 = arith.addi %scan3A_247, %scan3A_248 : i32
      %scan3A_250 = arith.constant 1 : i32
      %scan3A_251 = scf.for %scan3A_379 = %scan3A_247 to %scan3A_249 step %scan3A_250 iter_args(%scan3A_380 = %scan3A_246) -> (i32)  : i32 {
        %get3A_381 = arith.constant 0 : i32
        %get3A_382 = arith.index_cast %get3A_381 : i32 to index
        %get3A_383 = arith.index_cast %scan3A_379 : i32 to index
        %get3A_384 = arith.constant 0 : index
        %get3A_385 = tpu.vector_load %arg7[%get3A_382, %get3A_383, %get3A_384] {strides = array<i32>} : memref<2x128x128xf32, #tpu.memory_space<vmem>>, vector<1x1x16xf32>,
        %get3A_386 = vector.shape_cast %get3A_385 : vector<1x1x16xf32> to vector<16xf32>
        %add3A_387 = arith.addf %get3A_386, %get3A_233 : vector<16xf32>
        %swap3A = arith.index_cast %scan3A_379 : i32 to index
        %swap3A_388 = arith.constant 0 : index
        %swap3A_389 = tpu.vector_load %arg8[%swap3A, %swap3A_388] {strides = array<i32>} : memref<128x128xf32, #tpu.memory_space<vmem>>, vector<1x16xf32>,
        %swap3A_390 = vector.shape_cast %swap3A_389 : vector<1x16xf32> to vector<16xf32>
        %swap3A_391 = vector.shape_cast %add3A_387 : vector<16xf32> to vector<1x16xf32>
        tpu.vector_store %arg8[%swap3A, %swap3A_388], %swap3A_391 {strides = array<i32>} : memref<128x128xf32, #tpu.memory_space<vmem>>, vector<1x16xf32>,
        %get3A_392 = arith.constant 0 : i32
        %get3A_393 = arith.index_cast %get3A_392 : i32 to index
        %get3A_394 = arith.index_cast %scan3A_379 : i32 to index
        %get3A_395 = arith.constant 16 : index
        %get3A_396 = tpu.vector_load %arg7[%get3A_393, %get3A_394, %get3A_395] {strides = array<i32>} : memref<2x128x128xf32, #tpu.memory_space<vmem>>, vector<1x1x16xf32>,
        %get3A_397 = vector.shape_cast %get3A_396 : vector<1x1x16xf32> to vector<16xf32>
        %add3A_398 = arith.addf %get3A_397, %get3A_237 : vector<16xf32>
        %swap3A_399 = arith.index_cast %scan3A_379 : i32 to index
        %swap3A_400 = arith.constant 16 : index
        %swap3A_401 = tpu.vector_load %arg8[%swap3A_399, %swap3A_400] {strides = array<i32>} : memref<128x128xf32, #tpu.memory_space<vmem>>, vector<1x16xf32>,
        %swap3A_402 = vector.shape_cast %swap3A_401 : vector<1x16xf32> to vector<16xf32>
        %swap3A_403 = vector.shape_cast %add3A_398 : vector<16xf32> to vector<1x16xf32>
        tpu.vector_store %arg8[%swap3A_399, %swap3A_400], %swap3A_403 {strides = array<i32>} : memref<128x128xf32, #tpu.memory_space<vmem>>, vector<1x16xf32>,
        %get3A_404 = arith.constant 0 : i32
        %get3A_405 = arith.index_cast %get3A_404 : i32 to index
        %get3A_406 = arith.index_cast %scan3A_379 : i32 to index
        %get3A_407 = arith.constant 32 : index
        %get3A_408 = tpu.vector_load %arg7[%get3A_405, %get3A_406, %get3A_407] {strides = array<i32>} : memref<2x128x128xf32, #tpu.memory_space<vmem>>, vector<1x1x16xf32>,
        %get3A_409 = vector.shape_cast %get3A_408 : vector<1x1x16xf32> to vector<16xf32>
        %add3A_410 = arith.addf %get3A_409, %get3A_241 : vector<16xf32>
        %swap3A_411 = arith.index_cast %scan3A_379 : i32 to index
        %swap3A_412 = arith.constant 32 : index
        %swap3A_413 = tpu.vector_load %arg8[%swap3A_411, %swap3A_412] {strides = array<i32>} : memref<128x128xf32, #tpu.memory_space<vmem>>, vector<1x16xf32>,
        %swap3A_414 = vector.shape_cast %swap3A_413 : vector<1x16xf32> to vector<16xf32>
        %swap3A_415 = vector.shape_cast %add3A_410 : vector<16xf32> to vector<1x16xf32>
        tpu.vector_store %arg8[%swap3A_411, %swap3A_412], %swap3A_415 {strides = array<i32>} : memref<128x128xf32, #tpu.memory_space<vmem>>, vector<1x16xf32>,
        %get3A_416 = arith.constant 0 : i32
        %get3A_417 = arith.index_cast %get3A_416 : i32 to index
        %get3A_418 = arith.index_cast %scan3A_379 : i32 to index
        %get3A_419 = arith.constant 48 : index
        %get3A_420 = tpu.vector_load %arg7[%get3A_417, %get3A_418, %get3A_419] {strides = array<i32>} : memref<2x128x128xf32, #tpu.memory_space<vmem>>, vector<1x1x16xf32>,
        %get3A_421 = vector.shape_cast %get3A_420 : vector<1x1x16xf32> to vector<16xf32>
        %add3A_422 = arith.addf %get3A_421, %get3A_245 : vector<16xf32>
        %swap3A_423 = arith.index_cast %scan3A_379 : i32 to index
        %swap3A_424 = arith.constant 48 : index
        %swap3A_425 = tpu.vector_load %arg8[%swap3A_423, %swap3A_424] {strides = array<i32>} : memref<128x128xf32, #tpu.memory_space<vmem>>, vector<1x16xf32>,
        %swap3A_426 = vector.shape_cast %swap3A_425 : vector<1x16xf32> to vector<16xf32>
        %swap3A_427 = vector.shape_cast %add3A_422 : vector<16xf32> to vector<1x16xf32>
        tpu.vector_store %arg8[%swap3A_423, %swap3A_424], %swap3A_427 {strides = array<i32>} : memref<128x128xf32, #tpu.memory_space<vmem>>, vector<1x16xf32>,
        %scan3A_428 = arith.constant 0 : i32
        scf.yield %scan3A_428 : i32
      }
      %scan3A_252 = arith.constant 128 : i32
      %add3A_253 = arith.constant 1 : i32
      %add3A_254 = arith.addi %scan3A_135, %add3A_253 : i32
      %min3A = arith.constant 12 : i32
      %min3A_255 = arith.minsi %add3A_254, %min3A : i32
      %mul3A_256 = arith.constant 13 : i32
      %mul3A_257 = arith.muli %add3A, %mul3A_256 : i32
      %add3A_258 = arith.addi %mul3A_257, %min3A_255 : i32
      %jit3A_259 = arith.constant 32 : i32
      %div3A_260 = arith.divsi %add3A_258, %jit3A_259 : i32
      %sign3A_261 = arith.constant 0 : i32
      %sign3A_262 = arith.cmpi sgt, %add3A_258, %sign3A_261 : i32
      %sign3A_263 = arith.extui %sign3A_262 : i1 to i32
      %sign3A_264 = arith.constant 0 : i32
      %sign3A_265 = arith.cmpi slt, %add3A_258, %sign3A_264 : i32
      %sign3A_266 = arith.extui %sign3A_265 : i1 to i32
      %sign3A_267 = arith.subi %sign3A_263, %sign3A_266 : i32
      %sign3A_268 = arith.constant 0 : i32
      %sign3A_269 = arith.cmpi sgt, %jit3A_259, %sign3A_268 : i32
      %sign3A_270 = arith.extui %sign3A_269 : i1 to i32
      %sign3A_271 = arith.constant 0 : i32
      %sign3A_272 = arith.cmpi slt, %jit3A_259, %sign3A_271 : i32
      %sign3A_273 = arith.extui %sign3A_272 : i1 to i32
      %sign3A_274 = arith.subi %sign3A_270, %sign3A_273 : i32
      %ne3A_275 = arith.cmpi ne, %sign3A_267, %sign3A_274 : i32
      %rem3A_276 = arith.remsi %add3A_258, %jit3A_259 : i32
      %ne3A_277 = arith.constant 0 : i32
      %ne3A_278 = arith.cmpi ne, %rem3A_276, %ne3A_277 : i32
      %and3A_279 = arith.andi %ne3A_275, %ne3A_278 : i1
      %sub3A_280 = arith.constant 1 : i32
      %sub3A_281 = arith.subi %div3A_260, %sub3A_280 : i32
      %select_n3A_282 = arith.select %and3A_279, %sub3A_281, %div3A_260 : i32
      %jit3A_283 = arith.constant 32 : i32
      %eq3A_284 = arith.constant 0 : i32
      %eq3A_285 = arith.cmpi eq, %jit3A_283, %eq3A_284 : i32
      %jit3A_286 = arith.constant 1 : i32
      %select_n3A_287 = arith.select %eq3A_285, %jit3A_286, %jit3A_283 : i32
      %rem3A_288 = arith.remsi %add3A_258, %select_n3A_287 : i32
      %ne3A_289 = arith.constant 0 : i32
      %ne3A_290 = arith.cmpi ne, %rem3A_288, %ne3A_289 : i32
      %lt3A_291 = arith.constant 0 : i32
      %lt3A_292 = arith.cmpi slt, %rem3A_288, %lt3A_291 : i32
      %lt3A_293 = arith.constant 0 : i32
      %lt3A_294 = arith.cmpi slt, %select_n3A_287, %lt3A_293 : i32
      %ne3A_295 = arith.xori %lt3A_292, %lt3A_294 : i1
      %and3A_296 = arith.andi %ne3A_295, %ne3A_290 : i1
      %add3A_297 = arith.addi %rem3A_288, %select_n3A_287 : i32
      %select_n3A_298 = arith.select %and3A_296, %add3A_297, %rem3A_288 : i32
      %mul3A_299 = arith.constant 128 : i32
      %mul3A_300 = arith.muli %select_n3A_298, %mul3A_299 : i32
      %multiple_of3A_301 = tpu.assume_multiple %mul3A_300, 128 : i32
      %mul3A_302 = arith.constant 2 : i32
      %mul3A_303 = arith.muli %mul3A_302, %select_n3A_282 : i32
      %add3A_304 = arith.constant 0 : i32
      %add3A_305 = arith.addi %mul3A_303, %add3A_304 : i32
      %mul3A_306 = arith.constant 4096 : i32
      %mul3A_307 = arith.muli %add3A_305, %mul3A_306 : i32
      %add3A_308 = arith.addi %mul3A_307, %multiple_of3A_301 : i32
      %multiple_of3A_309 = tpu.assume_multiple %add3A_308, 128 : i32
      %run_scoped3A_310 = arith.constant 0 : i32
      "tpu.region"() ({
        %run_scoped3A_379 = tpu.sem_alloc : memref<!tpu.dma_semaphore, #tpu.memory_space<semaphore_mem>>
        %dma_start3A_380 = arith.constant 0 : i32
        %dma_start3A_381 = tpu.memref_slice %arg6[%run_scoped3A_310, %dma_start3A_380] : memref<2x128xi32, #tpu.memory_space<vmem>> -> memref<1x128xi32, #tpu.memory_space<vmem>>
        %dma_start3A_382 = tpu.memref_squeeze %dma_start3A_381 : memref<1x128xi32, #tpu.memory_space<vmem>> -> memref<128xi32, #tpu.memory_space<vmem>>
        %dma_start3A_383 = tpu.memref_slice %arg3[%multiple_of3A_309] : memref<106496xi32, #tpu.memory_space<hbm>> -> memref<128xi32, #tpu.memory_space<hbm>>
        %dma_start3A_384 = arith.constant 0 : i32
        %dma_start3A_385 = tpu.memref_slice %arg6[%run_scoped3A_310, %dma_start3A_384] : memref<2x128xi32, #tpu.memory_space<vmem>> -> memref<1x128xi32, #tpu.memory_space<vmem>>
        %dma_start3A_386 = tpu.memref_squeeze %dma_start3A_385 : memref<1x128xi32, #tpu.memory_space<vmem>> -> memref<128xi32, #tpu.memory_space<vmem>>
        %dma_start3A_387 = tpu.memref_slice %arg3[%multiple_of3A_309] : memref<106496xi32, #tpu.memory_space<hbm>> -> memref<128xi32, #tpu.memory_space<hbm>>
        tpu.enqueue_dma source(%dma_start3A_387 : memref<128xi32, #tpu.memory_space<hbm>>) target(%dma_start3A_386 : memref<128xi32, #tpu.memory_space<vmem>>) target_semaphore(%run_scoped3A_379 : memref<!tpu.dma_semaphore, #tpu.memory_space<semaphore_mem>>)
        %dma_wait3A_388 = arith.constant 0 : i32
        %dma_wait3A_389 = tpu.memref_slice %arg6[%run_scoped3A_310, %dma_wait3A_388] : memref<2x128xi32, #tpu.memory_space<vmem>> -> memref<1x128xi32, #tpu.memory_space<vmem>>
        %dma_wait3A_390 = tpu.memref_squeeze %dma_wait3A_389 : memref<1x128xi32, #tpu.memory_space<vmem>> -> memref<128xi32, #tpu.memory_space<vmem>>
        %dma_wait3A_391 = tpu.memref_slice %arg3[%multiple_of3A_309] : memref<106496xi32, #tpu.memory_space<hbm>> -> memref<128xi32, #tpu.memory_space<hbm>>
        %dma_wait3A_392 = arith.constant 0 : i32
        %dma_wait3A_393 = tpu.memref_slice %arg6[%run_scoped3A_310, %dma_wait3A_392] : memref<2x128xi32, #tpu.memory_space<vmem>> -> memref<1x128xi32, #tpu.memory_space<vmem>>
        %dma_wait3A_394 = tpu.memref_squeeze %dma_wait3A_393 : memref<1x128xi32, #tpu.memory_space<vmem>> -> memref<128xi32, #tpu.memory_space<vmem>>
        %dma_wait3A_395 = tpu.memref_slice %arg3[%multiple_of3A_309] : memref<106496xi32, #tpu.memory_space<hbm>> -> memref<128xi32, #tpu.memory_space<hbm>>
        tpu.wait_dma2 semaphore(%run_scoped3A_379 : memref<!tpu.dma_semaphore, #tpu.memory_space<semaphore_mem>>) src(%dma_wait3A_395 : memref<128xi32, #tpu.memory_space<hbm>>) dst(%dma_wait3A_394 : memref<128xi32, #tpu.memory_space<vmem>>)
        tpu.yield
      }) : () -> ()
      %dma_start3A_311 = arith.constant 0 : i32
      %dma_start3A_312 = arith.constant 0 : i32
      %dma_start3A_313 = arith.constant 0 : i32
      %dma_start3A_314 = arith.constant 0 : i32
      %dma_start3A_315 = arith.constant 0 : i32
      %dma_start3A_316 = tpu.memref_slice %arg7[%dma_start3A_312, %dma_start3A_314, %dma_start3A_315] : memref<2x128x128xf32, #tpu.memory_space<vmem>> -> memref<1x128x128xf32, #tpu.memory_space<vmem>>
      %dma_start3A_317 = tpu.memref_squeeze %dma_start3A_316 : memref<1x128x128xf32, #tpu.memory_space<vmem>> -> memref<128x128xf32, #tpu.memory_space<vmem>>
      %dma_start3A_318 = arith.constant 0 : i32
      %dma_start3A_319 = tpu.memref_slice %arg6[%dma_start3A_311, %dma_start3A_318] : memref<2x128xi32, #tpu.memory_space<vmem>> -> memref<1x128xi32, #tpu.memory_space<vmem>>
      %dma_start3A_320 = tpu.memref_squeeze %dma_start3A_319 : memref<1x128xi32, #tpu.memory_space<vmem>> -> memref<128xi32, #tpu.memory_space<vmem>>
      %dma_start3A_321 = arith.constant 0 : i32
      %dma_start3A_322 = arith.constant 0 : i32
      %dma_start3A_323 = tpu.memref_slice %arg2[%select_n3A_282, %dma_start3A_321, %dma_start3A_322] : memref<13x100001x128xf32, #tpu.memory_space<hbm>> -> memref<1x100001x128xf32, #tpu.memory_space<hbm>>
      %dma_start3A_324 = tpu.memref_squeeze %dma_start3A_323 : memref<1x100001x128xf32, #tpu.memory_space<hbm>> -> memref<100001x128xf32, #tpu.memory_space<hbm>>
      %dma_start3A_325 = arith.constant 0 : i32
      %dma_start3A_326 = arith.constant 0 : i32
      %dma_start3A_327 = tpu.memref_slice %dma_start3A_324[%dma_start3A_325, %dma_start3A_326] : memref<100001x128xf32, #tpu.memory_space<hbm>> -> memref<100001x128xf32, #tpu.memory_space<hbm>>
      %dma_start3A_328 = tpu.memref_slice %arg10[%dma_start3A_313] : memref<2x!tpu.dma_semaphore, #tpu.memory_space<semaphore_mem>> -> memref<1x!tpu.dma_semaphore, #tpu.memory_space<semaphore_mem>>
      %dma_start3A_329 = tpu.memref_squeeze %dma_start3A_328 : memref<1x!tpu.dma_semaphore, #tpu.memory_space<semaphore_mem>> -> memref<!tpu.dma_semaphore, #tpu.memory_space<semaphore_mem>>
      tpu.enqueue_indirect_dma source(%dma_start3A_327 : memref<100001x128xf32, #tpu.memory_space<hbm>>) target(%dma_start3A_317 : memref<128x128xf32, #tpu.memory_space<vmem>>) offsets(%dma_start3A_320 : memref<128xi32, #tpu.memory_space<vmem>>) semaphore(%dma_start3A_329 : memref<!tpu.dma_semaphore, #tpu.memory_space<semaphore_mem>>)
      %dma_wait3A_330 = arith.constant 1 : i32
      %dma_wait3A_331 = arith.constant 1 : i32
      %dma_wait3A_332 = arith.constant 0 : i32
      %dma_wait3A_333 = arith.constant 0 : i32
      %dma_wait3A_334 = tpu.memref_slice %arg7[%dma_wait3A_330, %dma_wait3A_332, %dma_wait3A_333] : memref<2x128x128xf32, #tpu.memory_space<vmem>> -> memref<1x128x128xf32, #tpu.memory_space<vmem>>
      %dma_wait3A_335 = tpu.memref_squeeze %dma_wait3A_334 : memref<1x128x128xf32, #tpu.memory_space<vmem>> -> memref<128x128xf32, #tpu.memory_space<vmem>>
      %dma_wait3A_336 = arith.constant 0 : i32
      %dma_wait3A_337 = arith.constant 0 : i32
      %dma_wait3A_338 = tpu.memref_slice %arg2[%select_n3A_163, %dma_wait3A_336, %dma_wait3A_337] : memref<13x100001x128xf32, #tpu.memory_space<hbm>> -> memref<1x128x128xf32, #tpu.memory_space<hbm>>
      %dma_wait3A_339 = tpu.memref_squeeze %dma_wait3A_338 : memref<1x128x128xf32, #tpu.memory_space<hbm>> -> memref<128x128xf32, #tpu.memory_space<hbm>>
      %dma_wait3A_340 = tpu.memref_slice %arg10[%dma_wait3A_331] : memref<2x!tpu.dma_semaphore, #tpu.memory_space<semaphore_mem>> -> memref<1x!tpu.dma_semaphore, #tpu.memory_space<semaphore_mem>>
      %dma_wait3A_341 = tpu.memref_squeeze %dma_wait3A_340 : memref<1x!tpu.dma_semaphore, #tpu.memory_space<semaphore_mem>> -> memref<!tpu.dma_semaphore, #tpu.memory_space<semaphore_mem>>
      %dma_wait3A_342 = arith.constant 0 : i32
      %dma_wait3A_343 = arith.constant 0 : i32
      %dma_wait3A_344 = tpu.memref_slice %arg7[%dma_wait3A_330, %dma_wait3A_342, %dma_wait3A_343] : memref<2x128x128xf32, #tpu.memory_space<vmem>> -> memref<1x128x128xf32, #tpu.memory_space<vmem>>
      %dma_wait3A_345 = tpu.memref_squeeze %dma_wait3A_344 : memref<1x128x128xf32, #tpu.memory_space<vmem>> -> memref<128x128xf32, #tpu.memory_space<vmem>>
      %dma_wait3A_346 = arith.constant 0 : i32
      %dma_wait3A_347 = arith.constant 0 : i32
      %dma_wait3A_348 = tpu.memref_slice %arg2[%select_n3A_163, %dma_wait3A_346, %dma_wait3A_347] : memref<13x100001x128xf32, #tpu.memory_space<hbm>> -> memref<1x128x128xf32, #tpu.memory_space<hbm>>
      %dma_wait3A_349 = tpu.memref_squeeze %dma_wait3A_348 : memref<1x128x128xf32, #tpu.memory_space<hbm>> -> memref<128x128xf32, #tpu.memory_space<hbm>>
      tpu.wait_dma2 semaphore(%dma_wait3A_341 : memref<!tpu.dma_semaphore, #tpu.memory_space<semaphore_mem>>) src(%dma_wait3A_349 : memref<128x128xf32, #tpu.memory_space<hbm>>) dst(%dma_wait3A_345 : memref<128x128xf32, #tpu.memory_space<vmem>>)
      %get3A_350 = arith.index_cast %select_n3A_163 : i32 to index
      %get3A_351 = arith.constant 64 : index
      %get3A_352 = tpu.vector_load %arg9[%get3A_350, %get3A_351] {strides = array<i32>} : memref<16x128xf32, #tpu.memory_space<vmem>>, vector<1x16xf32>,
      %get3A_353 = vector.shape_cast %get3A_352 : vector<1x16xf32> to vector<16xf32>
      %get3A_354 = arith.index_cast %select_n3A_163 : i32 to index
      %get3A_355 = arith.constant 80 : index
      %get3A_356 = tpu.vector_load %arg9[%get3A_354, %get3A_355] {strides = array<i32>} : memref<16x128xf32, #tpu.memory_space<vmem>>, vector<1x16xf32>,
      %get3A_357 = vector.shape_cast %get3A_356 : vector<1x16xf32> to vector<16xf32>
      %get3A_358 = arith.index_cast %select_n3A_163 : i32 to index
      %get3A_359 = arith.constant 96 : index
      %get3A_360 = tpu.vector_load %arg9[%get3A_358, %get3A_359] {strides = array<i32>} : memref<16x128xf32, #tpu.memory_space<vmem>>, vector<1x16xf32>,
      %get3A_361 = vector.shape_cast %get3A_360 : vector<1x16xf32> to vector<16xf32>
      %get3A_362 = arith.index_cast %select_n3A_163 : i32 to index
      %get3A_363 = arith.constant 112 : index
      %get3A_364 = tpu.vector_load %arg9[%get3A_362, %get3A_363] {strides = array<i32>} : memref<16x128xf32, #tpu.memory_space<vmem>>, vector<1x16xf32>,
      %get3A_365 = vector.shape_cast %get3A_364 : vector<1x16xf32> to vector<16xf32>
      %scan3A_366 = arith.constant 0 : i32
      %scan3A_367 = arith.constant 0 : i32
      %scan3A_368 = arith.constant 128 : i32
      %scan3A_369 = arith.addi %scan3A_367, %scan3A_368 : i32
      %scan3A_370 = arith.constant 1 : i32
      %scan3A_371 = scf.for %scan3A_379 = %scan3A_367 to %scan3A_369 step %scan3A_370 iter_args(%scan3A_380 = %scan3A_366) -> (i32)  : i32 {
        %get3A_381 = arith.constant 1 : i32
        %get3A_382 = arith.index_cast %get3A_381 : i32 to index
        %get3A_383 = arith.index_cast %scan3A_379 : i32 to index
        %get3A_384 = arith.constant 64 : index
        %get3A_385 = tpu.vector_load %arg7[%get3A_382, %get3A_383, %get3A_384] {strides = array<i32>} : memref<2x128x128xf32, #tpu.memory_space<vmem>>, vector<1x1x16xf32>,
        %get3A_386 = vector.shape_cast %get3A_385 : vector<1x1x16xf32> to vector<16xf32>
        %add3A_387 = arith.addf %get3A_386, %get3A_353 : vector<16xf32>
        %swap3A = arith.index_cast %scan3A_379 : i32 to index
        %swap3A_388 = arith.constant 64 : index
        %swap3A_389 = tpu.vector_load %arg8[%swap3A, %swap3A_388] {strides = array<i32>} : memref<128x128xf32, #tpu.memory_space<vmem>>, vector<1x16xf32>,
        %swap3A_390 = vector.shape_cast %swap3A_389 : vector<1x16xf32> to vector<16xf32>
        %swap3A_391 = vector.shape_cast %add3A_387 : vector<16xf32> to vector<1x16xf32>
        tpu.vector_store %arg8[%swap3A, %swap3A_388], %swap3A_391 {strides = array<i32>} : memref<128x128xf32, #tpu.memory_space<vmem>>, vector<1x16xf32>,
        %get3A_392 = arith.constant 1 : i32
        %get3A_393 = arith.index_cast %get3A_392 : i32 to index
        %get3A_394 = arith.index_cast %scan3A_379 : i32 to index
        %get3A_395 = arith.constant 80 : index
        %get3A_396 = tpu.vector_load %arg7[%get3A_393, %get3A_394, %get3A_395] {strides = array<i32>} : memref<2x128x128xf32, #tpu.memory_space<vmem>>, vector<1x1x16xf32>,
        %get3A_397 = vector.shape_cast %get3A_396 : vector<1x1x16xf32> to vector<16xf32>
        %add3A_398 = arith.addf %get3A_397, %get3A_357 : vector<16xf32>
        %swap3A_399 = arith.index_cast %scan3A_379 : i32 to index
        %swap3A_400 = arith.constant 80 : index
        %swap3A_401 = tpu.vector_load %arg8[%swap3A_399, %swap3A_400] {strides = array<i32>} : memref<128x128xf32, #tpu.memory_space<vmem>>, vector<1x16xf32>,
        %swap3A_402 = vector.shape_cast %swap3A_401 : vector<1x16xf32> to vector<16xf32>
        %swap3A_403 = vector.shape_cast %add3A_398 : vector<16xf32> to vector<1x16xf32>
        tpu.vector_store %arg8[%swap3A_399, %swap3A_400], %swap3A_403 {strides = array<i32>} : memref<128x128xf32, #tpu.memory_space<vmem>>, vector<1x16xf32>,
        %get3A_404 = arith.constant 1 : i32
        %get3A_405 = arith.index_cast %get3A_404 : i32 to index
        %get3A_406 = arith.index_cast %scan3A_379 : i32 to index
        %get3A_407 = arith.constant 96 : index
        %get3A_408 = tpu.vector_load %arg7[%get3A_405, %get3A_406, %get3A_407] {strides = array<i32>} : memref<2x128x128xf32, #tpu.memory_space<vmem>>, vector<1x1x16xf32>,
        %get3A_409 = vector.shape_cast %get3A_408 : vector<1x1x16xf32> to vector<16xf32>
        %add3A_410 = arith.addf %get3A_409, %get3A_361 : vector<16xf32>
        %swap3A_411 = arith.index_cast %scan3A_379 : i32 to index
        %swap3A_412 = arith.constant 96 : index
        %swap3A_413 = tpu.vector_load %arg8[%swap3A_411, %swap3A_412] {strides = array<i32>} : memref<128x128xf32, #tpu.memory_space<vmem>>, vector<1x16xf32>,
        %swap3A_414 = vector.shape_cast %swap3A_413 : vector<1x16xf32> to vector<16xf32>
        %swap3A_415 = vector.shape_cast %add3A_410 : vector<16xf32> to vector<1x16xf32>
        tpu.vector_store %arg8[%swap3A_411, %swap3A_412], %swap3A_415 {strides = array<i32>} : memref<128x128xf32, #tpu.memory_space<vmem>>, vector<1x16xf32>,
        %get3A_416 = arith.constant 1 : i32
        %get3A_417 = arith.index_cast %get3A_416 : i32 to index
        %get3A_418 = arith.index_cast %scan3A_379 : i32 to index
        %get3A_419 = arith.constant 112 : index
        %get3A_420 = tpu.vector_load %arg7[%get3A_417, %get3A_418, %get3A_419] {strides = array<i32>} : memref<2x128x128xf32, #tpu.memory_space<vmem>>, vector<1x1x16xf32>,
        %get3A_421 = vector.shape_cast %get3A_420 : vector<1x1x16xf32> to vector<16xf32>
        %add3A_422 = arith.addf %get3A_421, %get3A_365 : vector<16xf32>
        %swap3A_423 = arith.index_cast %scan3A_379 : i32 to index
        %swap3A_424 = arith.constant 112 : index
        %swap3A_425 = tpu.vector_load %arg8[%swap3A_423, %swap3A_424] {strides = array<i32>} : memref<128x128xf32, #tpu.memory_space<vmem>>, vector<1x16xf32>,
        %swap3A_426 = vector.shape_cast %swap3A_425 : vector<1x16xf32> to vector<16xf32>
        %swap3A_427 = vector.shape_cast %add3A_422 : vector<16xf32> to vector<1x16xf32>
        tpu.vector_store %arg8[%swap3A_423, %swap3A_424], %swap3A_427 {strides = array<i32>} : memref<128x128xf32, #tpu.memory_space<vmem>>, vector<1x16xf32>,
        %scan3A_428 = arith.constant 0 : i32
        scf.yield %scan3A_428 : i32
      }
      %scan3A_372 = arith.constant 128 : i32
      %mul3A_373 = arith.constant 2 : i32
      %mul3A_374 = arith.muli %select_n3A_163, %mul3A_373 : i32
      %mul3A_375 = arith.constant 64 : i32
      %mul3A_376 = arith.muli %mul3A_374, %mul3A_375 : i32
      %multiple_of3A_377 = tpu.assume_multiple %mul3A_376, 128 : i32
      "tpu.region"() ({
        %run_scoped3A_379 = tpu.sem_alloc : memref<!tpu.dma_semaphore, #tpu.memory_space<semaphore_mem>>
        %dma_start3A_380 = tpu.memref_slice %arg5[%multiple_of3A_182, %multiple_of3A_377] : memref<4096x1664xf32, #tpu.memory_space<hbm>> -> memref<128x128xf32, #tpu.memory_space<hbm>>
        %dma_start3A_381 = tpu.memref_slice %arg5[%multiple_of3A_182, %multiple_of3A_377] : memref<4096x1664xf32, #tpu.memory_space<hbm>> -> memref<128x128xf32, #tpu.memory_space<hbm>>
        tpu.enqueue_dma source(%arg8 : memref<128x128xf32, #tpu.memory_space<vmem>>) target(%dma_start3A_381 : memref<128x128xf32, #tpu.memory_space<hbm>>) target_semaphore(%run_scoped3A_379 : memref<!tpu.dma_semaphore, #tpu.memory_space<semaphore_mem>>)
        %dma_wait3A_382 = tpu.memref_slice %arg5[%multiple_of3A_182, %multiple_of3A_377] : memref<4096x1664xf32, #tpu.memory_space<hbm>> -> memref<128x128xf32, #tpu.memory_space<hbm>>
        %dma_wait3A_383 = tpu.memref_slice %arg5[%multiple_of3A_182, %multiple_of3A_377] : memref<4096x1664xf32, #tpu.memory_space<hbm>> -> memref<128x128xf32, #tpu.memory_space<hbm>>
        tpu.wait_dma2 semaphore(%run_scoped3A_379 : memref<!tpu.dma_semaphore, #tpu.memory_space<semaphore_mem>>) src(%arg8 : memref<128x128xf32, #tpu.memory_space<vmem>>) dst(%dma_wait3A_383 : memref<128x128xf32, #tpu.memory_space<hbm>>)
        tpu.yield
      }) : () -> ()
      %scan3A_378 = arith.constant 0 : i32
      scf.yield %scan3A_378 : i32
    }
    %scan3A_68 = arith.constant 13 : i32
    %mul3A_69 = arith.constant 13 : i32
    %mul3A_70 = arith.muli %add3A, %mul3A_69 : i32
    %add3A_71 = arith.constant 12 : i32
    %add3A_72 = arith.addi %mul3A_70, %add3A_71 : i32
    %jit3A_73 = arith.constant 32 : i32
    %div3A_74 = arith.divsi %add3A_72, %jit3A_73 : i32
    %sign3A_75 = arith.constant 0 : i32
    %sign3A_76 = arith.cmpi sgt, %add3A_72, %sign3A_75 : i32
    %sign3A_77 = arith.extui %sign3A_76 : i1 to i32
    %sign3A_78 = arith.constant 0 : i32
    %sign3A_79 = arith.cmpi slt, %add3A_72, %sign3A_78 : i32
    %sign3A_80 = arith.extui %sign3A_79 : i1 to i32
    %sign3A_81 = arith.subi %sign3A_77, %sign3A_80 : i32
    %sign3A_82 = arith.constant 0 : i32
    %sign3A_83 = arith.cmpi sgt, %jit3A_73, %sign3A_82 : i32
    %sign3A_84 = arith.extui %sign3A_83 : i1 to i32
    %sign3A_85 = arith.constant 0 : i32
    %sign3A_86 = arith.cmpi slt, %jit3A_73, %sign3A_85 : i32
    %sign3A_87 = arith.extui %sign3A_86 : i1 to i32
    %sign3A_88 = arith.subi %sign3A_84, %sign3A_87 : i32
    %ne3A_89 = arith.cmpi ne, %sign3A_81, %sign3A_88 : i32
    %rem3A_90 = arith.remsi %add3A_72, %jit3A_73 : i32
    %ne3A_91 = arith.constant 0 : i32
    %ne3A_92 = arith.cmpi ne, %rem3A_90, %ne3A_91 : i32
    %and3A_93 = arith.andi %ne3A_89, %ne3A_92 : i1
    %sub3A_94 = arith.constant 1 : i32
    %sub3A_95 = arith.subi %div3A_74, %sub3A_94 : i32
    %select_n3A_96 = arith.select %and3A_93, %sub3A_95, %div3A_74 : i32
    %jit3A_97 = arith.constant 32 : i32
    %eq3A_98 = arith.constant 0 : i32
    %eq3A_99 = arith.cmpi eq, %jit3A_97, %eq3A_98 : i32
    %jit3A_100 = arith.constant 1 : i32
    %select_n3A_101 = arith.select %eq3A_99, %jit3A_100, %jit3A_97 : i32
    %rem3A_102 = arith.remsi %add3A_72, %select_n3A_101 : i32
    %ne3A_103 = arith.constant 0 : i32
    %ne3A_104 = arith.cmpi ne, %rem3A_102, %ne3A_103 : i32
    %lt3A_105 = arith.constant 0 : i32
    %lt3A_106 = arith.cmpi slt, %rem3A_102, %lt3A_105 : i32
    %lt3A_107 = arith.constant 0 : i32
    %lt3A_108 = arith.cmpi slt, %select_n3A_101, %lt3A_107 : i32
    %ne3A_109 = arith.xori %lt3A_106, %lt3A_108 : i1
    %and3A_110 = arith.andi %ne3A_109, %ne3A_104 : i1
    %add3A_111 = arith.addi %rem3A_102, %select_n3A_101 : i32
    %select_n3A_112 = arith.select %and3A_110, %add3A_111, %rem3A_102 : i32
    %mul3A_113 = arith.constant 128 : i32
    %mul3A_114 = arith.muli %select_n3A_112, %mul3A_113 : i32
    %multiple_of3A_115 = tpu.assume_multiple %mul3A_114, 128 : i32
    %dma_wait3A = arith.constant 0 : i32
    %dma_wait3A_116 = arith.constant 0 : i32
    %dma_wait3A_117 = arith.constant 0 : i32
    %dma_wait3A_118 = arith.constant 0 : i32
    %dma_wait3A_119 = tpu.memref_slice %arg7[%dma_wait3A, %dma_wait3A_117, %dma_wait3A_118] : memref<2x128x128xf32, #tpu.memory_space<vmem>> -> memref<1x128x128xf32, #tpu.memory_space<vmem>>
    %dma_wait3A_120 = tpu.memref_squeeze %dma_wait3A_119 : memref<1x128x128xf32, #tpu.memory_space<vmem>> -> memref<128x128xf32, #tpu.memory_space<vmem>>
    %dma_wait3A_121 = arith.constant 0 : i32
    %dma_wait3A_122 = arith.constant 0 : i32
    %dma_wait3A_123 = tpu.memref_slice %arg2[%select_n3A_96, %dma_wait3A_121, %dma_wait3A_122] : memref<13x100001x128xf32, #tpu.memory_space<hbm>> -> memref<1x128x128xf32, #tpu.memory_space<hbm>>
    %dma_wait3A_124 = tpu.memref_squeeze %dma_wait3A_123 : memref<1x128x128xf32, #tpu.memory_space<hbm>> -> memref<128x128xf32, #tpu.memory_space<hbm>>
    %dma_wait3A_125 = tpu.memref_slice %arg10[%dma_wait3A_116] : memref<2x!tpu.dma_semaphore, #tpu.memory_space<semaphore_mem>> -> memref<1x!tpu.dma_semaphore, #tpu.memory_space<semaphore_mem>>
    %dma_wait3A_126 = tpu.memref_squeeze %dma_wait3A_125 : memref<1x!tpu.dma_semaphore, #tpu.memory_space<semaphore_mem>> -> memref<!tpu.dma_semaphore, #tpu.memory_space<semaphore_mem>>
    %dma_wait3A_127 = arith.constant 0 : i32
    %dma_wait3A_128 = arith.constant 0 : i32
    %dma_wait3A_129 = tpu.memref_slice %arg7[%dma_wait3A, %dma_wait3A_127, %dma_wait3A_128] : memref<2x128x128xf32, #tpu.memory_space<vmem>> -> memref<1x128x128xf32, #tpu.memory_space<vmem>>
    %dma_wait3A_130 = tpu.memref_squeeze %dma_wait3A_129 : memref<1x128x128xf32, #tpu.memory_space<vmem>> -> memref<128x128xf32, #tpu.memory_space<vmem>>
    %dma_wait3A_131 = arith.constant 0 : i32
    %dma_wait3A_132 = arith.constant 0 : i32
    %dma_wait3A_133 = tpu.memref_slice %arg2[%select_n3A_96, %dma_wait3A_131, %dma_wait3A_132] : memref<13x100001x128xf32, #tpu.memory_space<hbm>> -> memref<1x128x128xf32, #tpu.memory_space<hbm>>
    %dma_wait3A_134 = tpu.memref_squeeze %dma_wait3A_133 : memref<1x128x128xf32, #tpu.memory_space<hbm>> -> memref<128x128xf32, #tpu.memory_space<hbm>>
    tpu.wait_dma2 semaphore(%dma_wait3A_126 : memref<!tpu.dma_semaphore, #tpu.memory_space<semaphore_mem>>) src(%dma_wait3A_134 : memref<128x128xf32, #tpu.memory_space<hbm>>) dst(%dma_wait3A_130 : memref<128x128xf32, #tpu.memory_space<vmem>>)
    return
  }
}

</mosaic_0001>

<sc_bundles>
// kernel: kernel.3.cloned.1.call-start
scs
__scs_entry_jumppad:
0x0: {  	(pc) =	sbr.rel $0x88, $3  }
0x1: {  	(tag) =	ssettag $0x0;
	lr =	simm.s32 $0x1  }
0x2: {  	[smem:$0x3F9E] =	sst lr;
	_ =	strace $0xD0000000  }
0x3: {  	_ = 	snop  }
0x4: {  	_ = 	snop  }
0x5: {  	_ = 	snop  }
0x6: {  	_ = 	snop  }
0x7: {  	_ = 	snop  }
__scs_overlays_trampoline_lowered:
0x8: {  	[smem:$0x3FAD] =	sst s0  }
0x9: {  	[smem:$0x3FAE] =	sst s1  }
0xa: {  	[smem:$0x3FAF] =	sst s2  }
0xb: {  	[smem:$0x3FB0] =	sst s3  }
0xc: {  	[smem:$0x3FB1] =	sst s4  }
0xd: {  	[smem:$0x3FB2] =	sst s5  }
0xe: {  	[smem:$0x3FB3] =	sst s6  }
0xf: {  	[smem:$0x3FB4] =	sst s7  }
0x10: {  	[smem:$0x3FB5] =	sst s8  }
0x11: {  	[smem:$0x3FB6] =	sst s9;
	s0 =	simm.s32 @!p0 $0x0  }
0x12: {  	s1 =	sld [smem:$0x3F9C];
	s0 =	simm.s32 @p0 $0x1  }
0x13: {  	[smem:$0x3FB7] =	sst s0;
	s0 =	simm.s32 @!p1 $0x0  }
0x14: {  	s2 =	sld [smem:$0x3F9B];
	s0 =	simm.s32 @p1 $0x1  }
0x15: {  	[smem:$0x3FB8] =	sst s0;
	s0 =	simm.s32 @!p2 $0x0  }
0x16: {  	s3 =	sld [smem:$0x3FDB];
	s0 =	simm.s32 @p2 $0x1  }
0x17: {  	s4 =	simm.s32 $0x1BF5;
	[smem:$0x3FBA] =	sst s0  }
0x18: {  	s0 =	sld [smem:$0x3F9D];
	_ =	swait.ge [sflag:s4], $0x0  }
0x19: {  	s7 =	sld [smem:$0x3F9E]  }
0x1a: {  	s8 =	sadd.s32 $0xFFFFE003, lr  }
0x1b: {  	s9 =	sadd.s32 $0xFFFFFEF7, lr;
	s5 =	simm.s32 $0xFFFFFFFF;
	p2 =	slt.u32 s8, $0xFFFFF086  }
0x1c: {  	p1 =	slt.u32 s9, $0xF7A;
	s5 =	simm.s32 @!p2 $0x0  }
0x1d: {  	s5 =	simm.s32 @p1 $0x1;
	p0 =	seq.s32 s7, s2  }
0x1e: {  	s7 =	smul.u32 @!p0 $0xF7A, s2;
	p2 =	seq.s32 @!p0 s5, $0x0  }
0x1f: {  	s9 =	smul.u32 $0xF7A, s1;
	s8 =	simm.s32 @!p0 $0x1BF5;
	p2 =	por !p2, p0  }
0x20: {  	[sflag:s8] =	ssyncset.s32 @!p0 $0xFFFFF086;
	s6 =	sadd.s32 @!p0 s3, s7;
	s7 =	simm.s32 @!p0 $0x108  }
0x21: {  	s3 =	sadd.s32 s3, s9;
	s6 =	sadd.s32 @!p0 $0x88, s6;
	s7 =	simm.s32 @p2 $0x1082  }
0x22: {  	[simem:s7], [sflag:s8] =	dma.local @!p0 [hbm:s6], $0xF7A  }
0x23: {  	s9 =	sor.u32 $0xD0000000, s2;
	s6 =	simm.s32 $0x108;
	_ =	swait.ge @!p0 [sflag:s8], $0x0  }
0x24: {  	s3 =	sadd.s32 $0x88, s3;
	s6 =	simm.s32 @!p1 $0x1082;
	[sflag:s4] =	ssyncset.s32 $0xFFFFF086  }
0x25: {  	[simem:s6], [sflag:s4] =	dma.local [hbm:s3], $0xF7A  }
0x26: {  	[smem:$0x3F9E] =	sst s1;
	(tag) =	ssettag s2;
	_ =	strace s9  }
0x27: {  	s1 =	sld [smem:$0x3FAE]  }
0x28: {  	s2 =	sld [smem:$0x3FAF]  }
0x29: {  	s4 =	sld [smem:$0x3FB1]  }
0x2a: {  	p0 =	seq.s32 s5, $0x0;
	s5 =	sld [smem:$0x3FB2]  }
0x2b: {  	s6 =	sld [smem:$0x3FB3]  }
0x2c: {  	s7 =	sld [smem:$0x3FB4]  }
0x2d: {  	s3 =	simm.s32 $0x108;
	s8 =	sld [smem:$0x3FB5]  }
0x2e: {  	s3 =	simm.s32 @!p0 $0x1082;
	s9 =	sld [smem:$0x3FB6]  }
0x2f: {  	lr =	sadd.s32 s0, s3;
	s0 =	sld [smem:$0x3FAD]  }
0x30: {  	s3 =	sld [smem:$0x3FB0]  }
0x31: {  	[smem:$0x3FB9] =	sst s10  }
0x32: {  	s10 =	sld [smem:$0x3FB7];
	_ =	sdelay $0x3  }
0x33: {  	p0 =	seq.s32 s10, $0x1;
	s10 =	sld [smem:$0x3FB9];
	_ =	sdelay $0x3  }
0x34: {  	[smem:$0x3FB9] =	sst s10  }
0x35: {  	s10 =	sld [smem:$0x3FB8];
	_ =	sdelay $0x3  }
0x36: {  	p1 =	seq.s32 s10, $0x1;
	s10 =	sld [smem:$0x3FB9];
	_ =	sdelay $0x3  }
0x37: {  	[smem:$0x3FB9] =	sst s10  }
0x38: {  	s10 =	sld [smem:$0x3FBA]  }
0x39: {  	_ = 	snop;
	(pc) =	sbr.ind lr, $3  }
0x3a: {  	_ = 	snop  }
0x3b: {  	_ = 	snop  }
0x3c: {  	p2 =	seq.s32 s10, $0x1;
	s10 =	sld [smem:$0x3FB9]  }
0x3d: {  	_ =	shalt  }
0x3e: {  	_ =	shalt  }
0x3f: {  	_ =	shalt  }
0x40: {  	_ =	shalt  }
0x41: {  	_ =	shalt  }
0x42: {  	_ =	shalt  }
0x43: {  	_ =	shalt  }
0x44: {  	_ =	shalt  }
0x45: {  	_ =	shalt  }
0x46: {  	_ =	shalt  }
0x47: {  	_ =	shalt  }
0x48: {  	_ =	shalt  }
0x49: {  	_ =	shalt  }
0x4a: {  	_ =	shalt  }
0x4b: {  	_ =	shalt  }
0x4c: {  	_ =	shalt  }
0x4d: {  	_ =	shalt  }
0x4e: {  	_ =	shalt  }
0x4f: {  	_ =	shalt  }
0x50: {  	_ =	shalt  }
0x51: {  	_ =	shalt  }
0x52: {  	_ =	shalt  }
0x53: {  	_ =	shalt  }
0x54: {  	_ =	shalt  }
0x55: {  	_ =	shalt  }
0x56: {  	_ =	shalt  }
0x57: {  	_ =	shalt  }
0x58: {  	_ =	shalt  }
0x59: {  	_ =	shalt  }
0x5a: {  	_ =	shalt  }
0x5b: {  	_ =	shalt  }
0x5c: {  	_ =	shalt  }
0x5d: {  	_ =	shalt  }
0x5e: {  	_ =	shalt  }
0x5f: {  	_ =	shalt  }
0x60: {  	_ =	shalt  }
0x61: {  	_ =	shalt  }
0x62: {  	_ =	shalt  }
0x63: {  	_ =	shalt  }
0x64: {  	_ =	shalt  }
0x65: {  	_ =	shalt  }
0x66: {  	_ =	shalt  }
0x67: {  	_ =	shalt  }
0x68: {  	_ =	shalt  }
0x69: {  	_ =	shalt  }
0x6a: {  	_ =	shalt  }
0x6b: {  	_ =	shalt  }
0x6c: {  	_ =	shalt  }
0x6d: {  	_ =	shalt  }
0x6e: {  	_ =	shalt  }
0x6f: {  	_ =	shalt  }
0x70: {  	_ =	shalt  }
0x71: {  	_ =	shalt  }
0x72: {  	_ =	shalt  }
0x73: {  	_ =	shalt  }
0x74: {  	_ =	shalt  }
0x75: {  	_ =	shalt  }
0x76: {  	_ =	shalt  }
0x77: {  	_ =	shalt  }
0x78: {  	_ =	shalt  }
0x79: {  	_ =	shalt  }
0x7a: {  	_ =	shalt  }
0x7b: {  	_ =	shalt  }
0x7c: {  	_ =	shalt  }
0x7d: {  	_ =	shalt  }
0x7e: {  	_ =	shalt  }
0x7f: {  	_ =	shalt  }
0x80: {  	_ =	shalt  }
0x81: {  	_ =	shalt  }
0x82: {  	_ =	shalt  }
0x83: {  	_ =	shalt  }
0x84: {  	_ =	shalt  }
0x85: {  	_ =	shalt  }
0x86: {  	_ =	shalt  }
0x87: {  	_ =	shalt  }
.Lfunc_end0:
.L_simem_size_0:
called_computation_lowered:
.L_overlay_start_0:
0x88: {  	s2 =	sld [smem:$0x3FD9]  }
0x89: {  	s3 =	sld [smem:$0x3FFE];
	_ =	sdelay $0x1  }
0x8a: {  	s1 =	srdreg.scid  }
0x8b: {  	s0 =	sand.u32 $0x1, s1  }
0x8c: {  	s17 =	sshll.u32 s0, $0xA;
	s2 =	sadd.s32 s3, s2  }
0x8d: {  	s2 =	sadd.s32 s2, s17  }
0x8e: {  	[smem:$0x3FC5] =	sst s2  }
0x8f: {  	_ = 	snop  }
0x90: {  	s2 =	sld [smem:$0x3FD0];
	(tm) =	ssettm $0x1  }
0x91: {  	s18 =	sld [smem:$0x3FFB];
	_ =	sdelay $0x3  }
0x92: {  	_ =	strace s18  }
0x93: {  	s3 =	sld [smem:$0x3FFC];
	_ =	sdelay $0x3  }
0x94: {  	_ =	strace s3  }
0x95: {  	s3 =	sld [smem:$0x3FFD];
	_ =	sdelay $0x3  }
0x96: {  	_ =	strace s3  }
0x97: {  	_ =	strace $0x8FFFFFFF  }
0x98: {  	s19 =	sld [smem:$0x3FDB];
	_ =	sdelay $0x1  }
0x99: {  	s4 =	simm.s32 $_scs_section_size  }
0x9a: {  	s5 =	simm.s32 $_size__tile_overlayer_lowered;
	s6 =	simm.s32 $_tile_overlayer_lowered  }
0x9b: {  	s22 =	simm.s32 $0x1BFF;
	s21 =	sshll.u32 s6, $0x1;
	s3 =	sadd.s32 s4, s19  }
0x9c: {  	s7 =	simm.s32 $0x0;
	s20 =	sshll.u32 s5, $0x1;
	s5 =	sadd.s32 s21, s3  }
0x9d: {  	[timem:s7], [sflag:s22] =	dma.local [hbm:s5], s20  }
0x9e: {  	_ =	swait.ge [sflag:s22], s20  }
0x9f: {  	s4 =	ssub.s32 $0x0, s20;
	[sflag:s22] =	ssyncset.done $0x0  }
0xa0: {  	[sflag:s22] =	ssyncadd.s32 s4;
	_ =	sdelay $0x1  }
0xa1: {  	s23 =	simm.s32 $0x1B8B  }
0xa2: {  	_ =	swait.ge [sflag:s23], $0x1  }
0xa3: {  	[sflag:s23] =	ssyncset.done $0x0  }
0xa4: {  	s25 =	simm.s32 $0x1B8E;
	s24 =	sld [smem:$0x3FFE];
	[sflag:s23] =	ssyncadd.s32 $0xFFFFFFFF  }
0xa5: {  	s26 =	simm.s32 $execute0_lowered;
	[smem:$0x3FD2] =	sst s25  }
0xa6: {  	s5 =	sshll.u32 s26, $0x1;
	_ =	strace $0x80000046;
	[dreg:$0x1] =	wrdreg $0xFFFFFFFF  }
0xa7: {  	s28 =	simm.s32 $_size_execute0_lowered;
	s3 =	sadd.s32 s3, s5;
	[dreg:$0x0] =	wrdreg $0x0  }
0xa8: {  	s5 =	sshll.u32 s28, $0x1;
	[dreg:$0x2] =	wrdreg s3  }
0xa9: {  	[dreg:$0x3] =	wrdreg s5  }
0xaa: {  	[dreg:$0x4] =	wrdreg $0xC0  }
0xab: {  	_ =	task [dreg:s7], $0x5FFFF  }
0xac: {  	[dreg:$0x1] =	wrdreg $0xFFFFFFFF  }
0xad: {  	[dreg:$0x0] =	wrdreg $0x60  }
0xae: {  	[dreg:$0x2] =	wrdreg s24  }
0xaf: {  	[dreg:$0x3] =	wrdreg s2  }
0xb0: {  	[dreg:$0x4] =	wrdreg $0x9  }
0xb1: {  	_ =	task.clear_ibuf [dreg:s7], $0x5FFFF;
	_ =	strace $0x90000046  }
0xb2: {  	s29 =	simm.s32 $0x9;
	_ =	strace $0x80000048  }
0xb3: {  	_ =	swait.ge [sflag:s29], $0x1  }
0xb4: {  	[sflag:s29] =	ssyncadd.s32 $0xFFFFFFFF  }
0xb5: {  	_ =	strace $0x90000048  }
0xb6: {  	_ =	sfence  }
0xb7: {  	s30 =	sld [smem:$0x0];
	_ =	sdelay $0x2  }
0xb8: {  	s31 =	sshll.u32 s1, $0xD;
	s1 =	sshrl.u32 s1, $0x2  }
0xb9: {  	s3 =	sand.u32 $0x4000, s31;
	s1 =	sadd.s32 s1, s30  }
0xba: {  	s0 =	sor.u32 s3, s0;
	s1 =	sshll.u32 s1, $0x11  }
0xbb: {  	s0 =	sor.u32 s1, s0  }
0xbc: {  	s0 =	sadd.s32 $0x8F2B, s0  }
0xbd: {  	[sflag:s0] =	ssyncadd.remote.s32 $0x1  }
0xbe: {  	_ =	sfence.sel $0xFFFF  }
0xbf: {  	[dreg:$0x0] =	wrdreg $0xFFFFFFFF;
	(pc) =	sbr.abs _section_cstart, $3  }
0xc0: {  	[dreg:$0x1] =	wrdreg $0xFFFFFFFF  }
0xc1: {  	_ =	task.clear_ibuf [dreg:s7], $0x2FFFF;
	_ =	strace $0x9FFFFFFF  }
0xc2: {  	(tm) =	ssettm $0x7FFFFFFF  }
0xc3: {  	_ =	shalt  }
tec
execute0_lowered:
.L_overlay_start_1:
0x0: {  	(tag) =	ssettag $0x1  }
0x1: {  	s10 =	rddreg [dreg:$0x0];
	s1 =	srdreg.scid  }
0x2: {  	s0 =	stileid.u32;
	s2 =	rddreg [dreg:$0x1]  }
0x3: {  	s3 =	simm.s32 $0x0;
	s13 =	simm.s32 $0x3;
	s14 =	simm.s32 $0x80  }
0x4: {  	s15 =	simm.s32 $0x100;
	s16 =	simm.s32 $0x4100;
	s17 =	simm.s32 $0x1  }
0x5: {  	s18 =	simm.s32 $0x2;
	s19 =	simm.s32 $0x400;
	s20 =	simm.s32 $0x3400  }
0x6: {  	s21 =	simm.s32 $0x8100;
	s7 =	sand.u32 $0x1, s1;
	s4 =	sshll.u32 s0, $0x1  }
0x7: {  	s22 =	simm.s32 $0x0;
	s1 =	rddreg [dreg:$0x2];
	s5 =	sor.u32 s7, s4  }
0x8: {  	[smem:$0x7FF] =	sst s3;
	s6 =	sadd.s32 $0x600, s10;
	s4 =	smul.u32 $0xD, s5  }
0x9: {  	_ =	strace $0x80000047;
	s11 =	ssub.s32 $0x2, s7;
	s8 =	smul.u32 $0x680, s5  }
0xa: {  	s7 =	sadd.s32 $0x13DA400, s10;
	s5 =	sadd.s32 $0x3A00, s10;
	s9 =	sshrl.u32 s4, $0x5  }
0xb: {  	s12 =	sshrl.u32 s11, $0x1;
	s8 =	sand.u32 $0xF80, s8;
	s31 =	sshll.u32 s9, $0xD  }
0xc: {  	s10 =	sadd.s32 $0x800, s10;
	s9 =	smul.u32 $0x186A80, s9;
	s8 =	sor.u32 s8, s31  }
0xd: {  	s11 =	ssub.s32 s11, s12;
	s12 =	simm.s32 $0xC100;
	s8 =	sshrl.u32 s8, $0x3  }
0xe: {  	s11 =	smax.u32 s11, $0x1;
	s9 =	sadd.s32 s5, s9;
	s8 =	sadd.s32 s6, s8  }
.LBB2_1:
0xf: {  	[tilespmem:s12], [sflag:$0x3] =	stream.linear.gather [hbm4b:s7+s3], $0x800, $0x38;
	[tilespmem:$0xC900] =	vst v63  }
0x10: {  	_ =	swait.ge [sflag:s13], $0x800  }
0x11: {  	[sflag:s13] =	ssyncset.done $0x0  }
0x12: {  	[sflag:s13] =	ssyncadd.s32 $0xFFFFF800  }
0x13: {  	[tilespmem:s3], [sflag:$0x3] =	stream.linear.gather [hbm4b:s8+s3], $0x80, $0x38;
	[tilespmem:$0xC900] =	vst v63  }
0x14: {  	_ =	swait.ge [sflag:s13], $0x80  }
0x15: {  	[sflag:s13] =	ssyncset.done $0x0  }
0x16: {  	s23 =	simm.s32 $0x0;
	[sflag:s13] =	ssyncadd.s32 $0xFFFFFF80  }
0x17: {  	[tilespmem:s15], [sflag:$0x1] =	stream.indirect.gather [hbm4b:s9+s14], $0x80, s3, s14, $0xb8;
	[tilespmem:$0xC900] =	vst v63  }
.LBB2_2:
0x18: {  	s26 =	sadd.s32 s4, s23  }
0x19: {  	s24 =	sshrl.u32 s26, $0x5;
	s25 =	sshll.u32 s26, $0x7  }
0x1a: {  	s25 =	sand.u32 $0xF80, s25;
	s28 =	sshll.u32 s24, $0xD  }
0x1b: {  	s28 =	sor.u32 s25, s28  }
0x1c: {  	s28 =	sshrl.u32 s28, $0x3  }
0x1d: {  	s29 =	simm.s32 $0x0;
	s28 =	sadd.s32 s28, s10  }
0x1e: {  	[tilespmem:s14], [sflag:$0x3] =	stream.linear.gather [hbm4b:s28+s29], $0x80, $0x38;
	[tilespmem:$0xC900] =	vst v63  }
0x1f: {  	s28 =	smul.u32 $0x186A80, s24;
	_ =	swait.ge [sflag:s13], $0x80  }
0x20: {  	[sflag:s13] =	ssyncset.done $0x0  }
0x21: {  	s28 =	sadd.s32 s5, s28;
	[sflag:s13] =	ssyncadd.s32 $0xFFFFFF80  }
0x22: {  	[tilespmem:s16], [sflag:$0x2] =	stream.indirect.gather [hbm4b:s28+s14], $0x80, s14, s14, $0xb8;
	[tilespmem:$0xC900] =	vst v63  }
0x23: {  	_ =	swait.ge [sflag:s17], $0x4000  }
0x24: {  	s26 =	sshll.u32 s26, $0x2;
	[sflag:s17] =	ssyncset.done $0x0  }
0x25: {  	s26 =	sand.u32 $0x3FFFFF80, s26;
	[sflag:s17] =	ssyncadd.s32 $0xFFFFC000  }
0x26: {  	v2 =	vld [tilespmem:s26+$0xC100]  }
0x27: {  	v1 =	vld [tilespmem:s26+$0xC110]  }
0x28: {  	v0 =	vld [tilespmem:s26+$0xC120]  }
0x29: {  	s28 =	simm.s32 $0x0;
	v3 =	vld [tilespmem:s26+$0xC130]  }
0x2a: {  	v7 =	vld [tilespmem:s28+$0x130]  }
0x2b: {  	v5 =	vld [tilespmem:s28+$0x100]  }
0x2c: {  	v6 =	vld [tilespmem:s28+$0x110]  }
0x2d: {  	v4 =	vld [tilespmem:s28+$0x120]  }
0x2e: {  	s29 =	simm.s32 $0x200  }
.LBB2_3:
0x2f: {  	s30 =	sshra.s32 s29, $0x2;
	p0 =	sne.s32 s29, $0xFE00;
	s29 =	sadd.s32 $0x200, s29;
	v8 =	vadd.f32 v7, v3  }
.Ltmp0:
0x30: {  	v7 =	vld [tilespmem:s30+$0x130];
	v9 =	vadd.f32 v5, v2;
	(pc) =	sbr.rel @p0 .LBB2_3-.Ltmp0, $4  }
0x31: {  	v5 =	vld [tilespmem:s30+$0x100];
	v10 =	vadd.f32 v6, v1;
	[tilespmem:s28+$0x8130] =	vst v8  }
0x32: {  	v6 =	vld [tilespmem:s30+$0x110];
	[tilespmem:s28+$0x8100] =	vst v9;
	v8 =	vadd.f32 v4, v0  }
0x33: {  	v4 =	vld [tilespmem:s30+$0x120];
	[tilespmem:s28+$0x8110] =	vst v10  }
0x34: {  	[tilespmem:s28+$0x8120] =	vst v8;
	s28 =	smov.u32 s30  }
0x35: {  	s23 =	sadd.s32 $0x1, s23  }
0x36: {  	p0 =	slt.s32 s23, $0xC;
	s29 =	smov.u32 s23  }
0x37: {  	v3 =	vadd.f32 v7, v3;
	s29 =	simm.s32 @!p0 $0xC  }
0x38: {  	v2 =	vadd.f32 v5, v2;
	s29 =	sadd.s32 s4, s29  }
0x39: {  	v1 =	vadd.f32 v6, v1;
	[tilespmem:s28+$0x8130] =	vst v3;
	s30 =	sshll.u32 s29, $0x4  }
0x3a: {  	[tilespmem:s28+$0x8100] =	vst v2;
	v0 =	vadd.f32 v4, v0;
	s29 =	sshrl.u32 s29, $0x5;
	s30 =	sand.u32 $0x1F0, s30  }
0x3b: {  	[tilespmem:s28+$0x8110] =	vst v1;
	s31 =	sshll.u32 s29, $0xA;
	s30 =	sadd.s32 s6, s30  }
0x3c: {  	[tilespmem:s28+$0x8120] =	vst v0;
	s28 =	sadd.s32 s31, s30;
	s31 =	simm.s32 $0x0  }
0x3d: {  	[tilespmem:s31], [sflag:$0x3] =	stream.linear.gather [hbm4b:s28+s31], $0x80, $0x38;
	[tilespmem:$0xC900] =	vst v63  }
0x3e: {  	s28 =	smul.u32 $0x186A80, s29;
	_ =	swait.ge [sflag:s13], $0x80  }
0x3f: {  	[sflag:s13] =	ssyncset.done $0x0  }
0x40: {  	s28 =	sadd.s32 s5, s28;
	[sflag:s13] =	ssyncadd.s32 $0xFFFFFF80  }
0x41: {  	[tilespmem:s15], [sflag:$0x1] =	stream.indirect.gather [hbm4b:s28+s14], $0x80, s31, s14, $0xb8;
	[tilespmem:$0xC900] =	vst v63  }
0x42: {  	_ =	swait.ge [sflag:s18], $0x4000  }
0x43: {  	[sflag:s18] =	ssyncset.done $0x0  }
0x44: {  	[sflag:s18] =	ssyncadd.s32 $0xFFFFC000  }
0x45: {  	v2 =	vld [tilespmem:s26+$0xC140]  }
0x46: {  	v1 =	vld [tilespmem:s26+$0xC150]  }
0x47: {  	v0 =	vld [tilespmem:s26+$0xC160]  }
0x48: {  	v3 =	vld [tilespmem:s26+$0xC170];
	s26 =	simm.s32 $0x0  }
0x49: {  	v7 =	vld [tilespmem:s26+$0x4170]  }
0x4a: {  	v5 =	vld [tilespmem:s26+$0x4140]  }
0x4b: {  	v6 =	vld [tilespmem:s26+$0x4150]  }
0x4c: {  	v4 =	vld [tilespmem:s26+$0x4160]  }
0x4d: {  	s28 =	simm.s32 $0x200  }
.LBB2_5:
0x4e: {  	s29 =	sshra.s32 s28, $0x2;
	p0 =	sne.s32 s28, $0xFE00;
	s28 =	sadd.s32 $0x200, s28;
	v8 =	vadd.f32 v7, v3  }
.Ltmp1:
0x4f: {  	v7 =	vld [tilespmem:s29+$0x4170];
	v9 =	vadd.f32 v5, v2;
	(pc) =	sbr.rel @p0 .LBB2_5-.Ltmp1, $4  }
0x50: {  	v5 =	vld [tilespmem:s29+$0x4140];
	v10 =	vadd.f32 v6, v1;
	[tilespmem:s26+$0x8170] =	vst v8  }
0x51: {  	v6 =	vld [tilespmem:s29+$0x4150];
	[tilespmem:s26+$0x8140] =	vst v9;
	v8 =	vadd.f32 v4, v0  }
0x52: {  	v4 =	vld [tilespmem:s29+$0x4160];
	[tilespmem:s26+$0x8150] =	vst v10  }
0x53: {  	[tilespmem:s26+$0x8160] =	vst v8;
	s26 =	smov.u32 s29  }
0x54: {  	v3 =	vadd.f32 v7, v3;
	s25 =	sshrl.u32 s25, $0x3  }
0x55: {  	v2 =	vadd.f32 v5, v2;
	s25 =	smul.u32 $0x3400, s25  }
0x56: {  	s24 =	sshll.u32 s24, $0xA;
	v1 =	vadd.f32 v6, v1;
	[tilespmem:s26+$0x8170] =	vst v3  }
0x57: {  	[tilespmem:s26+$0x8140] =	vst v2;
	v0 =	vadd.f32 v4, v0;
	s24 =	sadd.s32 s24, s25  }
0x58: {  	p0 =	sne.s32 s23, $0xD;
	[tilespmem:s26+$0x8150] =	vst v1;
	s24 =	sshrl.u32 s24, $0x3  }
.Ltmp2:
0x59: {  	[tilespmem:s26+$0x8160] =	vst v0;
	s24 =	sadd.s32 s2, s24;
	(pc) =	sbr.rel @p0 .LBB2_2-.Ltmp2, $4  }
0x5a: {  	[hbm4b:s24+s19] =	stream.strided.scatter [tilespmem:s21], [sflag:$0x3], $0x4000, s20, s19, $0x38;
	[tilespmem:$0xC900] =	vst v63  }
0x5b: {  	_ =	swait.ge [sflag:s13], $0x4000  }
0x5c: {  	[sflag:s13] =	ssyncset.done $0x0  }
0x5d: {  	[sflag:s13] =	ssyncadd.s32 $0xFFFFC000  }
0x5e: {  	s22 =	sadd.s32 $0x1, s22  }
0x5f: {  	p0 =	sne.s32 s22, s11  }
.Ltmp3:
0x60: {  	_ = 	snop;
	(pc) =	sbr.rel @p0 .LBB2_1-.Ltmp3, $4  }
0x61: {  	_ = 	snop  }
0x62: {  	_ =	swait.ge [sflag:s17], $0x4000  }
0x63: {  	[sflag:s17] =	ssyncset.done $0x0  }
0x64: {  	[sflag:s17] =	ssyncadd.s32 $0xFFFFC000  }
0x65: {  	_ =	sfence.sel $0x180000  }
0x66: {  	[bflag:$0x0] =	sbarrier.arrive $0xFFFF  }
0x67: {  	p0 =	sne.s32 s0, $0x0;
	_ =	strace $0x90000047  }
0x68: {  	s0 =	sadd.s32 @!p0 $0x100000, s1;
	[bflag:$0x2] =	sbarrier.arrive $0xFFFF  }
0x69: {  	[sflag:s0] =	ssyncadd.tile.s32 @!p0 $0x1;
	_ =	shalt  }
.Lfunc_end2:
_tile_overlayer_lowered:
.L_overlay_start_2:
0x6a: {  	(tag) =	ssettag $0x2  }
0x6b: {  	s0 =	rddreg [dreg:$0x0];
	s2 =	stileid.u32  }
0x6c: {  	s1 =	rddreg [dreg:$0x1];
	p0 =	sne.s32 s2, $0x0  }
0x6d: {  	s3 =	rddreg [dreg:$0x2];
	[bflag:$0x3] =	sbarrier.arrive $0xFFFF;
	s2 =	simm.s32 @!p0 $0x1C03  }
0x6e: {  	[timem:s3], [sflag:s2] =	dma.local @!p0 [hbm:s0], s1  }
0x6f: {  	s0 =	simm.s32 @!p0 $0x3  }
0x70: {  	_ =	swait.ge @!p0 [sflag:s0], s1  }
0x71: {  	s1 =	ssub.s32 @!p0 $0x0, s1;
	[sflag:s0] =	ssyncset.done @!p0 $0x0  }
0x72: {  	[sflag:s0] =	ssyncadd.s32 @!p0 s1  }
0x73: {  	[bflag:$0x3] =	sbarrier.arrive $0xFFFF  }
0x74: {  	_ =	shalt  }

</sc_bundles>
